<compile_context>
chip_gen: v7x
topology: tpu7x:2x2x1
jax: 0.10.2.dev20260603
libtpu: 0.0.44.dev20260713+nightly
codegen_flags: <defaults>
</compile_context>

<pallas_src>
import functools

import jax
import jax.numpy as jnp
import numpy as np
from jax import lax
from jax.experimental import pallas as pl
from jax.experimental.pallas import tpu as pltpu
from jax.experimental.pallas import tpu_sc as plsc

D = 1024
E = 4
L = 576
NIMG = 4
T_TXT = 64
TQ = 32
NUM_TOKENS = E * L + TQ
DFF = 1024
H = 8
DH = D // H
TILE_L = 288
NLB = L // TILE_L

_F32 = jnp.float32
_BF16 = jnp.bfloat16


def _ln(x, g, b, eps=1e-5):
    mu = x.mean(-1, keepdims=True)
    var = ((x - mu) ** 2).mean(-1, keepdims=True)
    return (x - mu) * jax.lax.rsqrt(var + eps) * g + b


def _gelu(x):
    return 0.5 * x * (1.0 + jax.lax.erf(x * np.float32(1.0 / np.sqrt(2.0))))


def _dot(a, b):
    return jnp.dot(a, b, preferred_element_type=_F32,
                   precision=jax.lax.Precision.HIGHEST)


def _r(a):
    return a.astype(_BF16).astype(_F32)


def _dotb(a, b):
    return jnp.dot(a.astype(_BF16), b, preferred_element_type=_F32)


def _text_kernel(img_ref, txt_ref, mrow_ref, vt_ref,
                 wv_ref, bv_ref, wo_ref, bo_ref, l1_ref, b1_ref, l2_ref, b2_ref,
                 rw1_ref, rb1_ref, rw2_ref,
                 n1g_ref, n1b_ref, n2g_ref, n2b_ref, out_ref):
    img = img_ref[:]
    txt = txt_ref[:]
    nrm = jnp.sqrt((img * img).sum(-1, keepdims=True))
    xn = img / jnp.maximum(nrm, 1e-8)
    tnr = jnp.sqrt((txt * txt).sum(-1, keepdims=True))
    tn = txt / jnp.maximum(tnr, 1e-8)
    sim = jax.lax.dot_general(xn, tn, (((1,), (1,)), ((), ())),
                              preferred_element_type=_F32)
    neg = np.float32(-1e30)
    sim = jnp.where(mrow_ref[:] == 0.0, neg, sim)
    a_row = -sim.mean(0, keepdims=True)
    a_col = jnp.transpose(a_row)
    AR = jnp.broadcast_to(a_row, (T_TXT, T_TXT))
    AC = jnp.broadcast_to(a_col, (T_TXT, T_TXT))
    ii = jax.lax.broadcasted_iota(jnp.int32, (T_TXT, T_TXT), 0)
    jj = jax.lax.broadcasted_iota(jnp.int32, (T_TXT, T_TXT), 1)
    before = (AC < AR) | ((AC == AR) & (ii < jj))
    rank_row = before.astype(_F32).sum(0, keepdims=True)
    rr = jnp.broadcast_to(rank_row, (TQ, T_TXT))
    si = jax.lax.broadcasted_iota(jnp.int32, (TQ, T_TXT), 0).astype(_F32)
    P = (rr == si).astype(_F32)
    new_text = _dot(P, txt)
    v = _dotb(new_text, wv_ref[:]) + bv_ref[:]
    ao = _dotb(v, wo_ref[:]) + bo_ref[:]
    x1 = _ln(new_text + ao, n1g_ref[:], n1b_ref[:])
    ffh = jnp.maximum(_dotb(x1, l1_ref[:]) + b1_ref[:], 0.0)
    ff = _dotb(ffh, l2_ref[:]) + b2_ref[:]
    xo = _ln(x1 + ff, n2g_ref[:], n2b_ref[:])
    h = _gelu(_dotb(xo, rw1_ref[:]) + rb1_ref[:])
    lt = _dotb(h, rw2_ref[:])
    out_ref[:] = (_r(vt_ref[:]) * _r(lt)).sum(0, keepdims=True)


def _feat_kernel(dif_ref, voter_ref, hm_ref, hmt_ref,
                 wq_ref, wk_ref, wv_ref, wo_ref, l1_ref, l2_ref, rw1_ref,
                 rw2_ref,
                 bq_ref, bk_ref, bv_ref, bo_ref, b1_ref, b2_ref, rb1_ref,
                 n1g_ref, n1b_ref, n2g_ref, n2b_ref, out_ref):
    e = pl.program_id(0)
    lb = pl.program_id(1)
    R = NIMG * TILE_L
    x = dif_ref[0].reshape(R, D)
    iscale = np.float32(1.0 / np.sqrt(DH))
    q = _dotb(x, wq_ref[:]) + bq_ref[:]
    k = _dotb(x, wk_ref[:]) + bk_ref[:]
    v = _dotb(x, wv_ref[:]) + bv_ref[:]
    qs = [_r(q[s * TILE_L:(s + 1) * TILE_L]) for s in range(NIMG)]
    ks = [_r(k[t * TILE_L:(t + 1) * TILE_L]) for t in range(NIMG)]
    vs = [_r(v[t * TILE_L:(t + 1) * TILE_L]) for t in range(NIMG)]
    attn_parts = []
    for s in range(NIMG):
        sc = []
        for t in range(NIMG):
            prod = qs[s] * ks[t]
            hi = prod.astype(_BF16)
            lo = (prod - hi.astype(_F32)).astype(_BF16)
            ss = (jnp.dot(hi, hm_ref[:], preferred_element_type=_F32)
                  + jnp.dot(lo, hm_ref[:], preferred_element_type=_F32))
            sc.append(ss * iscale)
        mx = jnp.maximum(jnp.maximum(sc[0], sc[1]), jnp.maximum(sc[2], sc[3]))
        ex = [jnp.exp(c - mx) for c in sc]
        den = ex[0] + ex[1] + ex[2] + ex[3]
        acc = None
        for t in range(NIMG):
            w = (ex[t] / den).astype(_BF16)
            wx = jnp.dot(w, hmt_ref[:], preferred_element_type=_F32)
            acc = wx * vs[t] if acc is None else acc + wx * vs[t]
        attn_parts.append(acc)
    attn = jnp.concatenate(attn_parts, axis=0)
    ao = _dotb(attn, wo_ref[:]) + bo_ref[:]
    x1 = _ln(x + ao, n1g_ref[:], n1b_ref[:])
    ffh = jnp.maximum(_dotb(x1, l1_ref[:]) + b1_ref[:], 0.0)
    ff = _dotb(ffh, l2_ref[:]) + b2_ref[:]
    xo = _ln(x1 + ff, n2g_ref[:], n2b_ref[:])
    h = _gelu(_dotb(xo, rw1_ref[:]) + rb1_ref[:])
    lt = _dotb(h, rw2_ref[:])
    off = e * L + lb * TILE_L
    w = voter_ref[pl.ds(off, TILE_L), :]
    wfull = _r(jnp.concatenate([w, w, w, w], axis=0))
    contrib = (wfull * _r(lt)).sum(0, keepdims=True)
    first = jnp.logical_and(e == 0, lb == 0)

    @pl.when(first)
    def _():
        out_ref[:] = contrib

    @pl.when(jnp.logical_not(first))
    def _():
        out_ref[:] = out_ref[:] + contrib


def _final_kernel(sf_ref, st_ref, rb2_ref, ng_ref, nb_ref, voter_ref,
                  logits_ref, idx_ref):
    vsum = voter_ref[:].sum()
    lg = 0.25 * sf_ref[:] + st_ref[:] + vsum * rb2_ref[:]
    ln = _ln(lg, ng_ref[:], nb_ref[:])
    logits_ref[:] = ln
    m = ln.max(1, keepdims=True)
    lane = jax.lax.broadcasted_iota(jnp.int32, (1, E), 1)
    idx = jnp.where(ln == m, lane, jnp.int32(10 ** 6)).min(1, keepdims=True)
    idx_ref[:] = idx


_SC_INFO = plsc.get_sparse_core_info()
_SC_NW = _SC_INFO.num_cores * _SC_INFO.num_subcores
_GROWS = NIMG * L
_G_PER_W = _GROWS // _SC_NW


def _sc_gather_kernel(rows_hbm, dif_hbm, out_hbm, idx_v, rows_v, sem):
    wid = lax.axis_index("s") * _SC_INFO.num_cores + lax.axis_index("c")
    base = wid * _G_PER_W
    pltpu.sync_copy(rows_hbm.at[pl.ds(base, _G_PER_W)], idx_v)
    pltpu.async_copy(dif_hbm.at[idx_v], rows_v, sem).wait()
    pltpu.sync_copy(rows_v, out_hbm.at[pl.ds(base, _G_PER_W)])


def kernel(hidden_states, dif_granularity_features, text_hidden_states,
           text_attention_mask, router_w1, router_b1, router_w2, router_b2,
           voter, norm_g, norm_b, in_proj_w, in_proj_b, out_proj_w, out_proj_b,
           lin1_w, lin1_b, lin2_w, lin2_b, norm1_g, norm1_b, norm2_g, norm2_b):
    f32 = _F32
    bf16 = _BF16
    img = hidden_states[0]
    maskf = text_attention_mask.astype(f32)
    mrow = maskf.reshape(1, T_TXT)
    wq_t = in_proj_w[:D].T.astype(bf16)
    wk_t = in_proj_w[D:2 * D].T.astype(bf16)
    wv_t = in_proj_w[2 * D:].T.astype(bf16)
    bq = in_proj_b[:D].reshape(1, D)
    bk = in_proj_b[D:2 * D].reshape(1, D)
    bv = in_proj_b[2 * D:].reshape(1, D)
    wo_t = out_proj_w.T.astype(bf16)
    bo = out_proj_b.reshape(1, D)
    l1_t = lin1_w.T.astype(bf16)
    b1 = lin1_b.reshape(1, DFF)
    l2_t = lin2_w.T.astype(bf16)
    b2 = lin2_b.reshape(1, D)
    rw1_t = router_w1.T.astype(bf16)
    rb1 = router_b1.reshape(1, D)
    rw2_t = router_w2.T.astype(bf16)
    rb2 = router_b2.reshape(1, E)
    n1g = norm1_g.reshape(1, D)
    n1b = norm1_b.reshape(1, D)
    n2g = norm2_g.reshape(1, D)
    n2b = norm2_b.reshape(1, D)
    ng = norm_g.reshape(1, E)
    nb = norm_b.reshape(1, E)
    voter_text = voter[E * L:]

    st = pl.pallas_call(
        _text_kernel,
        out_shape=jax.ShapeDtypeStruct((1, E), f32),
    )(img, text_hidden_states, mrow, voter_text,
      wv_t, bv, wo_t, bo, l1_t, b1, l2_t, b2, rw1_t, rb1, rw2_t,
      n1g, n1b, n2g, n2b)

    hm = jnp.asarray(np.repeat(np.eye(H, dtype=np.float32), DH, axis=0))
    hmt = jnp.asarray(np.repeat(np.eye(H, dtype=np.float32), DH,
                                axis=0).T.astype(np.float32)).astype(bf16)

    full = lambda shape: pl.BlockSpec(shape, lambda e, lb: tuple(0 for _ in shape))
    sf = pl.pallas_call(
        _feat_kernel,
        grid=(E, NLB),
        in_specs=[
            pl.BlockSpec((1, NIMG, TILE_L, D), lambda e, lb: (e, 0, lb, 0)),
            full((NUM_TOKENS, 1)),
            full((D, H)), full((H, D)),
            full((D, D)), full((D, D)), full((D, D)), full((D, D)),
            full((D, DFF)), full((DFF, D)), full((D, D)), full((D, E)),
            full((1, D)), full((1, D)), full((1, D)), full((1, D)),
            full((1, DFF)), full((1, D)), full((1, D)),
            full((1, D)), full((1, D)), full((1, D)), full((1, D)),
        ],
        out_specs=pl.BlockSpec((1, E), lambda e, lb: (0, 0)),
        out_shape=jax.ShapeDtypeStruct((1, E), f32),
    )(dif_granularity_features, voter, hm, hmt,
      wq_t, wk_t, wv_t, wo_t, l1_t, l2_t, rw1_t, rw2_t,
      bq, bk, bv, bo, b1, b2, rb1,
      n1g, n1b, n2g, n2b)

    logits, idx = pl.pallas_call(
        _final_kernel,
        out_shape=(jax.ShapeDtypeStruct((1, E), f32),
                   jax.ShapeDtypeStruct((1, 1), jnp.int32)),
    )(sf, st, rb2, ng, nb, voter)

    row_ids = idx.reshape((1,))[0] * _GROWS + jnp.arange(_GROWS, dtype=jnp.int32)
    dif_flat = dif_granularity_features.reshape(E * NIMG * L, D)
    sc_gather = functools.partial(
        pl.kernel,
        mesh=plsc.VectorSubcoreMesh(core_axis_name="c", subcore_axis_name="s"),
        out_type=jax.ShapeDtypeStruct((_GROWS, D), f32),
        scratch_types=[
            pltpu.VMEM((_G_PER_W,), jnp.int32),
            pltpu.VMEM((_G_PER_W, D), f32),
            pltpu.SemaphoreType.DMA,
        ],
    )(_sc_gather_kernel)
    final = sc_gather(row_ids, dif_flat).reshape(NIMG, L, D)

    return final, logits

# --- scband reference (transcript-rebuilt; emitter-appended) ---
"""Pipeline reference for scband-router-29695403884956 (READ-ONLY COPY).

The authoritative reference and input builder live on the scoring server;
editing this copy changes nothing except your own understanding.
"""

import jax, jax.numpy as jnp
import numpy as np

D = 1024
E = 4
L = 576
NIMG = 4
T_TXT = 64
TQ = 32
NUM_TOKENS = E * L + TQ
DFF = 1024
H = 8


def _ln(x, g, b, eps=1e-5):
    mu = x.mean(-1, keepdims=True)
    var = ((x - mu) ** 2).mean(-1, keepdims=True)
    return (x - mu) / jnp.sqrt(var + eps) * g + b


def setup_inputs(seed: int = 0) -> dict:
    key = jax.random.key(seed)
    ks = jax.random.split(key, 16)
    s = 1.0 / np.sqrt(D)
    inp = {}
    inp['hidden_states'] = jax.random.normal(ks[0], (NIMG, L, D), dtype=jnp.float32)
    inp['dif_granularity_features'] = jax.random.normal(ks[1], (E, NIMG, L, D), dtype=jnp.float32)
    inp['text_hidden_states'] = jax.random.normal(ks[2], (T_TXT, D), dtype=jnp.float32)
    inp['text_attention_mask'] = jnp.ones((T_TXT,), dtype=bool)
    inp['router_w1'] = jax.random.normal(ks[3], (D, D), dtype=jnp.float32) * np.sqrt(2.0 / D)
    inp['router_b1'] = jnp.zeros((D,), dtype=jnp.float32)
    inp['router_w2'] = jax.random.normal(ks[4], (E, D), dtype=jnp.float32) * np.sqrt(2.0 / D)
    inp['router_b2'] = jnp.zeros((E,), dtype=jnp.float32)
    inp['voter'] = jax.random.normal(ks[5], (NUM_TOKENS, 1), dtype=jnp.float32)
    inp['norm_g'] = jnp.ones((E,), dtype=jnp.float32)
    inp['norm_b'] = jnp.zeros((E,), dtype=jnp.float32)
    inp['in_proj_w'] = jax.random.normal(ks[6], (3 * D, D), dtype=jnp.float32) * s
    inp['in_proj_b'] = jnp.zeros((3 * D,), dtype=jnp.float32)
    inp['out_proj_w'] = jax.random.normal(ks[7], (D, D), dtype=jnp.float32) * s
    inp['out_proj_b'] = jnp.zeros((D,), dtype=jnp.float32)
    inp['lin1_w'] = jax.random.normal(ks[8], (DFF, D), dtype=jnp.float32) * s
    inp['lin1_b'] = jnp.zeros((DFF,), dtype=jnp.float32)
    inp['lin2_w'] = jax.random.normal(ks[9], (D, DFF), dtype=jnp.float32) * (1.0 / np.sqrt(DFF))
    inp['lin2_b'] = jnp.zeros((D,), dtype=jnp.float32)
    inp['norm1_g'] = jnp.ones((D,), dtype=jnp.float32)
    inp['norm1_b'] = jnp.zeros((D,), dtype=jnp.float32)
    inp['norm2_g'] = jnp.ones((D,), dtype=jnp.float32)
    inp['norm2_b'] = jnp.zeros((D,), dtype=jnp.float32)
    return inp


def reference(hidden_states, dif_granularity_features, text_hidden_states, text_attention_mask,
              router_w1, router_b1, router_w2, router_b2, voter, norm_g, norm_b,
              in_proj_w, in_proj_b, out_proj_w, out_proj_b,
              lin1_w, lin1_b, lin2_w, lin2_b, norm1_g, norm1_b, norm2_g, norm2_b):
    # TextFilterCosine
    img = hidden_states[0]
    xn = img / jnp.clip(jnp.linalg.norm(img, axis=-1, keepdims=True), 1e-8)
    tn = text_hidden_states / jnp.clip(jnp.linalg.norm(text_hidden_states, axis=-1, keepdims=True), 1e-8)
    sim = xn @ tn.T  # (L, T)
    inv_mask = jnp.logical_not(text_attention_mask)
    sim = jnp.where(inv_mask[None, :], -jnp.inf, sim)
    sim = sim.mean(axis=0)
    order = jnp.argsort(-sim)
    sel = order[:TQ]
    new_text = text_hidden_states[sel]  # (TQ, D)
    # assemble token stream: concat per-expert features then text queries
    feats = jnp.transpose(dif_granularity_features, (1, 0, 2, 3)).reshape(NIMG, E * L, D)
    x = jnp.concatenate([feats, jnp.broadcast_to(new_text[None], (NIMG, TQ, D))], axis=1)  # (NIMG, NUM_TOKENS, D)
    # TransformerEncoderLayer (PyTorch default batch_first=False -> seq dim is NIMG)
    dh = D // H
    qkv = x @ in_proj_w.T + in_proj_b
    q, k, v = jnp.split(qkv, 3, axis=-1)
    q = q.reshape(NIMG, NUM_TOKENS, H, dh)
    k = k.reshape(NIMG, NUM_TOKENS, H, dh)
    v = v.reshape(NIMG, NUM_TOKENS, H, dh)
    scores = jnp.einsum('sbhd,tbhd->bhst', q, k) / np.sqrt(dh)
    p = jax.nn.softmax(scores, axis=-1)
    attn = jnp.einsum('bhst,tbhd->sbhd', p, v).reshape(NIMG, NUM_TOKENS, D)
    attn = attn @ out_proj_w.T + out_proj_b
    x = _ln(x + attn, norm1_g, norm1_b)
    ff = jax.nn.relu(x @ lin1_w.T + lin1_b) @ lin2_w.T + lin2_b
    x = _ln(x + ff, norm2_g, norm2_b)
    # router MLP + voter aggregation
    h = jax.nn.gelu(x @ router_w1.T + router_b1, approximate=False)
    logits = h @ router_w2.T + router_b2  # (n, T, E)
    logits = jnp.transpose(logits, (0, 2, 1))
    logits = jnp.einsum('ijk,kl->ijl', logits, voter)
    logits = jnp.transpose(logits, (0, 2, 1))  # (n, 1, E)
    logits = logits.mean(axis=0)  # (1, E)
    logits = _ln(logits, norm_g, norm_b)
    # eval-mode hard routing
    idx = jnp.argmax(logits)
    probs = jnp.zeros_like(logits).reshape(-1).at[idx].set(1.0).reshape(logits.shape)
    final = jnp.einsum('e,enld->nld', probs[0], dif_granularity_features)
    return final, logits

if __name__ == "__main__":
    import jax
    _d = setup_inputs()
    print(jax.jit(kernel)(*tuple(_d.values())))

</pallas_src>

<mosaic_0001>
#map = affine_map<(d0, d1) -> (0)>
#map1 = affine_map<(d0, d1) -> (0, 0)>
module attributes {stable_mosaic.version = 14 : i64} {
  func.func @_sc_gather_kernel(%arg0: i32, %arg1: i32, %arg2: memref<2304xi32, #tpu.memory_space<hbm>>, %arg3: memref<9216x1024xf32, #tpu.memory_space<hbm>>, %arg4: memref<2304x1024xf32, #tpu.memory_space<hbm>>, %arg5: memref<72xi32, #tpu.memory_space<vmem>>, %arg6: memref<72x1024xf32, #tpu.memory_space<vmem>>, %arg7: memref<!tpu.dma_semaphore, #tpu.memory_space<semaphore_mem>>) attributes {dimension_semantics = [#tpu.dimension_semantics<core_parallel>, #tpu.dimension_semantics<subcore_parallel>], iteration_bounds = array<i64: 2, 16>, scalar_prefetch = 0 : i64, scratch_operands = 3 : i64, tpu.core_type = #tpu.core_type<sc_vector_subcore>, window_params = [{transform_indices = #map}, {transform_indices = #map1}, {transform_indices = #map1}]} {
    %mul3A = arith.constant 2 : i32
    %mul3A_0 = arith.muli %arg1, %mul3A : i32
    %add3A = arith.addi %mul3A_0, %arg0 : i32
    %mul3A_1 = arith.constant 72 : i32
    %mul3A_2 = arith.muli %add3A, %mul3A_1 : i32
    "tpu.region"() ({
      %run_scoped3A = tpu.sem_alloc : memref<!tpu.dma_semaphore, #tpu.memory_space<semaphore_mem>>
      %dma_start3A_7 = tpu.memref_slice %arg2[%mul3A_2] : memref<2304xi32, #tpu.memory_space<hbm>> -> memref<72xi32, #tpu.memory_space<hbm>>
      %dma_start3A_8 = tpu.memref_slice %arg2[%mul3A_2] : memref<2304xi32, #tpu.memory_space<hbm>> -> memref<72xi32, #tpu.memory_space<hbm>>
      tpu.enqueue_dma source(%dma_start3A_8 : memref<72xi32, #tpu.memory_space<hbm>>) target(%arg5 : memref<72xi32, #tpu.memory_space<vmem>>) target_semaphore(%run_scoped3A : memref<!tpu.dma_semaphore, #tpu.memory_space<semaphore_mem>>)
      %dma_wait3A_9 = tpu.memref_slice %arg2[%mul3A_2] : memref<2304xi32, #tpu.memory_space<hbm>> -> memref<72xi32, #tpu.memory_space<hbm>>
      %dma_wait3A_10 = tpu.memref_slice %arg2[%mul3A_2] : memref<2304xi32, #tpu.memory_space<hbm>> -> memref<72xi32, #tpu.memory_space<hbm>>
      tpu.wait_dma2 semaphore(%run_scoped3A : memref<!tpu.dma_semaphore, #tpu.memory_space<semaphore_mem>>) src(%dma_wait3A_10 : memref<72xi32, #tpu.memory_space<hbm>>) dst(%arg5 : memref<72xi32, #tpu.memory_space<vmem>>)
      tpu.yield
    }) : () -> ()
    %dma_start3A = arith.constant 0 : i32
    %dma_start3A_3 = arith.constant 0 : i32
    %dma_start3A_4 = tpu.memref_slice %arg3[%dma_start3A, %dma_start3A_3] : memref<9216x1024xf32, #tpu.memory_space<hbm>> -> memref<9216x1024xf32, #tpu.memory_space<hbm>>
    tpu.enqueue_indirect_dma source(%dma_start3A_4 : memref<9216x1024xf32, #tpu.memory_space<hbm>>) target(%arg6 : memref<72x1024xf32, #tpu.memory_space<vmem>>) offsets(%arg5 : memref<72xi32, #tpu.memory_space<vmem>>) semaphore(%arg7 : memref<!tpu.dma_semaphore, #tpu.memory_space<semaphore_mem>>)
    %dma_wait3A = arith.constant 0 : i32
    %dma_wait3A_5 = arith.constant 0 : i32
    %dma_wait3A_6 = tpu.memref_slice %arg3[%dma_wait3A, %dma_wait3A_5] : memref<9216x1024xf32, #tpu.memory_space<hbm>> -> memref<9216x1024xf32, #tpu.memory_space<hbm>>
    tpu.wait_indirect_dma semaphore(%arg7 : memref<!tpu.dma_semaphore, #tpu.memory_space<semaphore_mem>>) src(%dma_wait3A_6 : memref<9216x1024xf32, #tpu.memory_space<hbm>>) dst(%arg6 : memref<72x1024xf32, #tpu.memory_space<vmem>>)
    "tpu.region"() ({
      %run_scoped3A = tpu.sem_alloc : memref<!tpu.dma_semaphore, #tpu.memory_space<semaphore_mem>>
      %dma_start3A_7 = arith.constant 0 : i32
      %dma_start3A_8 = tpu.memref_slice %arg4[%mul3A_2, %dma_start3A_7] : memref<2304x1024xf32, #tpu.memory_space<hbm>> -> memref<72x1024xf32, #tpu.memory_space<hbm>>
      %dma_start3A_9 = arith.constant 0 : i32
      %dma_start3A_10 = tpu.memref_slice %arg4[%mul3A_2, %dma_start3A_9] : memref<2304x1024xf32, #tpu.memory_space<hbm>> -> memref<72x1024xf32, #tpu.memory_space<hbm>>
      tpu.enqueue_dma source(%arg6 : memref<72x1024xf32, #tpu.memory_space<vmem>>) target(%dma_start3A_10 : memref<72x1024xf32, #tpu.memory_space<hbm>>) target_semaphore(%run_scoped3A : memref<!tpu.dma_semaphore, #tpu.memory_space<semaphore_mem>>)
      %dma_wait3A_11 = arith.constant 0 : i32
      %dma_wait3A_12 = tpu.memref_slice %arg4[%mul3A_2, %dma_wait3A_11] : memref<2304x1024xf32, #tpu.memory_space<hbm>> -> memref<72x1024xf32, #tpu.memory_space<hbm>>
      %dma_wait3A_13 = arith.constant 0 : i32
      %dma_wait3A_14 = tpu.memref_slice %arg4[%mul3A_2, %dma_wait3A_13] : memref<2304x1024xf32, #tpu.memory_space<hbm>> -> memref<72x1024xf32, #tpu.memory_space<hbm>>
      tpu.wait_dma2 semaphore(%run_scoped3A : memref<!tpu.dma_semaphore, #tpu.memory_space<semaphore_mem>>) src(%arg6 : memref<72x1024xf32, #tpu.memory_space<vmem>>) dst(%dma_wait3A_14 : memref<72x1024xf32, #tpu.memory_space<hbm>>)
      tpu.yield
    }) : () -> ()
    return
  }
}

module attributes {stable_mosaic.version = 14 : i64} {
  func.func @_text_kernel(%arg0: memref<576x1024xf32, #tpu.memory_space<vmem>>, %arg1: memref<64x1024xf32, #tpu.memory_space<vmem>>, %arg2: memref<1x64xf32, #tpu.memory_space<vmem>>, %arg3: memref<32x1xf32, #tpu.memory_space<vmem>>, %arg4: memref<1024x1024xbf16, #tpu.memory_space<vmem>>, %arg5: memref<1x1024xf32, #tpu.memory_space<vmem>>, %arg6: memref<1024x1024xbf16, #tpu.memory_space<vmem>>, %arg7: memref<1x1024xf32, #tpu.memory_space<vmem>>, %arg8: memref<1024x1024xbf16, #tpu.memory_space<vmem>>, %arg9: memref<1x1024xf32, #tpu.memory_space<vmem>>, %arg10: memref<1024x1024xbf16, #tpu.memory_space<vmem>>, %arg11: memref<1x1024xf32, #tpu.memory_space<vmem>>, %arg12: memref<1024x1024xbf16, #tpu.memory_space<vmem>>, %arg13: memref<1x1024xf32, #tpu.memory_space<vmem>>, %arg14: memref<1024x4xbf16, #tpu.memory_space<vmem>>, %arg15: memref<1x1024xf32, #tpu.memory_space<vmem>>, %arg16: memref<1x1024xf32, #tpu.memory_space<vmem>>, %arg17: memref<1x1024xf32, #tpu.memory_space<vmem>>, %arg18: memref<1x1024xf32, #tpu.memory_space<vmem>>, %arg19: memref<1x4xf32, #tpu.memory_space<vmem>>) attributes {dimension_semantics = [], scalar_prefetch = 0 : i64, scratch_operands = 0 : i64, tpu.core_type = #tpu.core_type<tc>} {
    %get3A = arith.constant 0 : index
    %get3A_0 = arith.constant 0 : index
    %get3A_1 = vector.load %arg0[%get3A, %get3A_0] : memref<576x1024xf32, #tpu.memory_space<vmem>>, vector<576x1024xf32>
    %get3A_2 = arith.constant 0 : index
    %get3A_3 = arith.constant 0 : index
    %get3A_4 = vector.load %arg1[%get3A_2, %get3A_3] : memref<64x1024xf32, #tpu.memory_space<vmem>>, vector<64x1024xf32>
    %mul3A = arith.mulf %get3A_1, %get3A_1 : vector<576x1024xf32>
    %reduce_sum3A = arith.constant dense<0.000000e+00> : vector<576xf32>
    %reduce_sum3A_5 = vector.multi_reduction <add>, %mul3A, %reduce_sum3A [1] : vector<576x1024xf32> to vector<576xf32>
    %broadcast_in_dim3A = vector.shape_cast %reduce_sum3A_5 : vector<576xf32> to vector<576x1xf32>
    %sqrt3A = math.sqrt %broadcast_in_dim3A : vector<576x1xf32>
    %max3A = arith.constant 9.99999993E-9 : f32
    %max3A_6 = vector.broadcast %max3A : f32 to vector<576x1xf32>
    %max3A_7 = arith.maximumf %sqrt3A, %max3A_6 : vector<576x1xf32>
    %div3A = vector.broadcast %max3A_7 : vector<576x1xf32> to vector<576x1024xf32>
    %div3A_8 = arith.divf %get3A_1, %div3A : vector<576x1024xf32>
    %mul3A_9 = arith.mulf %get3A_4, %get3A_4 : vector<64x1024xf32>
    %reduce_sum3A_10 = arith.constant dense<0.000000e+00> : vector<64xf32>
    %reduce_sum3A_11 = vector.multi_reduction <add>, %mul3A_9, %reduce_sum3A_10 [1] : vector<64x1024xf32> to vector<64xf32>
    %broadcast_in_dim3A_12 = vector.shape_cast %reduce_sum3A_11 : vector<64xf32> to vector<64x1xf32>
    %sqrt3A_13 = math.sqrt %broadcast_in_dim3A_12 : vector<64x1xf32>
    %max3A_14 = arith.constant 9.99999993E-9 : f32
    %max3A_15 = vector.broadcast %max3A_14 : f32 to vector<64x1xf32>
    %max3A_16 = arith.maximumf %sqrt3A_13, %max3A_15 : vector<64x1xf32>
    %div3A_17 = vector.broadcast %max3A_16 : vector<64x1xf32> to vector<64x1024xf32>
    %div3A_18 = arith.divf %get3A_4, %div3A_17 : vector<64x1024xf32>
    %dot_general3A = arith.constant dense<0.000000e+00> : vector<576x64xf32>
    %dot_general3A_19 = tpu.matmul %div3A_8, %div3A_18, %dot_general3A {dimension_numbers = #tpu.dot_dimension_numbers<[1], [1], [0], [0], [0, 0, 1, 0], [], []>, transpose_lhs_hint = false} : vector<576x1024xf32>, vector<64x1024xf32>, vector<576x64xf32> -> vector<576x64xf32>
    %get3A_20 = arith.constant 0 : index
    %get3A_21 = arith.constant 0 : index
    %get3A_22 = vector.load %arg2[%get3A_20, %get3A_21] : memref<1x64xf32, #tpu.memory_space<vmem>>, vector<1x64xf32>
    %eq3A = arith.constant 0.000000e+00 : f32
    %eq3A_23 = vector.broadcast %eq3A : f32 to vector<1x64xf32>
    %eq3A_24 = arith.cmpf oeq, %get3A_22, %eq3A_23 : vector<1x64xf32>
    %jit3A = arith.constant -1.000000e+30 : f32
    %broadcast_in_dim3A_25 = vector.shape_cast %eq3A_24 : vector<1x64xi1> to vector<1x64xi1>
    %broadcast_in_dim3A_26 = vector.broadcast %broadcast_in_dim3A_25 : vector<1x64xi1> to vector<576x64xi1>
    %broadcast_in_dim3A_27 = vector.broadcast %jit3A : f32 to vector<576x64xf32>
    %select_n3A = arith.select %broadcast_in_dim3A_26, %broadcast_in_dim3A_27, %dot_general3A_19 : vector<576x64xi1>, vector<576x64xf32>
    %reduce_sum3A_28 = arith.constant dense<0.000000e+00> : vector<64xf32>
    %reduce_sum3A_29 = vector.multi_reduction <add>, %select_n3A, %reduce_sum3A_28 [0] : vector<576x64xf32> to vector<64xf32>
    %broadcast_in_dim3A_30 = vector.shape_cast %reduce_sum3A_29 : vector<64xf32> to vector<1x64xf32>
    %div3A_31 = arith.constant 5.760000e+02 : f32
    %div3A_32 = vector.broadcast %div3A_31 : f32 to vector<1x64xf32>
    %div3A_33 = arith.divf %broadcast_in_dim3A_30, %div3A_32 : vector<1x64xf32>
    %neg3A = arith.constant 0.000000e+00 : f32
    %neg3A_34 = vector.broadcast %neg3A : f32 to vector<1x64xf32>
    %neg3A_35 = arith.subf %neg3A_34, %div3A_33 : vector<1x64xf32>
    %transpose3A = tpu.transpose %neg3A_35, [1, 0] : vector<1x64xf32> -> vector<64x1xf32>
    %broadcast_in_dim3A_36 = vector.shape_cast %neg3A_35 : vector<1x64xf32> to vector<1x64xf32>
    %broadcast_in_dim3A_37 = vector.broadcast %broadcast_in_dim3A_36 : vector<1x64xf32> to vector<64x64xf32>
    %broadcast_in_dim3A_38 = vector.shape_cast %transpose3A : vector<64x1xf32> to vector<64x1xf32>
    %broadcast_in_dim3A_39 = vector.broadcast %broadcast_in_dim3A_38 : vector<64x1xf32> to vector<64x64xf32>
    %iota3A = tpu.iota {dimensions = array<i32: 0>} : vector<64x64xi32>
    %iota3A_40 = tpu.iota {dimensions = array<i32: 1>} : vector<64x64xi32>
    %lt3A = arith.cmpf olt, %broadcast_in_dim3A_39, %broadcast_in_dim3A_37 : vector<64x64xf32>
    %eq3A_41 = arith.cmpf oeq, %broadcast_in_dim3A_39, %broadcast_in_dim3A_37 : vector<64x64xf32>
    %lt3A_42 = arith.cmpi slt, %iota3A, %iota3A_40 : vector<64x64xi32>
    %and3A = arith.andi %eq3A_41, %lt3A_42 : vector<64x64xi1>
    %or3A = arith.ori %lt3A, %and3A : vector<64x64xi1>
    %convert_element_type3A = arith.extui %or3A : vector<64x64xi1> to vector<64x64xi32>
    %convert_element_type3A_43 = arith.sitofp %convert_element_type3A : vector<64x64xi32> to vector<64x64xf32>
    %reduce_sum3A_44 = arith.constant dense<0.000000e+00> : vector<64xf32>
    %reduce_sum3A_45 = vector.multi_reduction <add>, %convert_element_type3A_43, %reduce_sum3A_44 [0] : vector<64x64xf32> to vector<64xf32>
    %broadcast_in_dim3A_46 = vector.shape_cast %reduce_sum3A_45 : vector<64xf32> to vector<1x64xf32>
    %broadcast_in_dim3A_47 = vector.shape_cast %broadcast_in_dim3A_46 : vector<1x64xf32> to vector<1x64xf32>
    %broadcast_in_dim3A_48 = vector.broadcast %broadcast_in_dim3A_47 : vector<1x64xf32> to vector<32x64xf32>
    %iota3A_49 = tpu.iota {dimensions = array<i32: 0>} : vector<32x64xi32>
    %convert_element_type3A_50 = arith.sitofp %iota3A_49 : vector<32x64xi32> to vector<32x64xf32>
    %eq3A_51 = arith.cmpf oeq, %broadcast_in_dim3A_48, %convert_element_type3A_50 : vector<32x64xf32>
    %convert_element_type3A_52 = arith.extui %eq3A_51 : vector<32x64xi1> to vector<32x64xi32>
    %convert_element_type3A_53 = arith.sitofp %convert_element_type3A_52 : vector<32x64xi32> to vector<32x64xf32>
    %dot_general3A_54 = arith.constant dense<0.000000e+00> : vector<32x1024xf32>
    %dot_general3A_55 = tpu.matmul %convert_element_type3A_53, %get3A_4, %dot_general3A_54 {dimension_numbers = #tpu.dot_dimension_numbers<[1], [0], [0], [1], [0, 0, 1, 1], [], []>, precision = #tpu.contract_precision<fp32>, transpose_lhs_hint = false} : vector<32x64xf32>, vector<64x1024xf32>, vector<32x1024xf32> -> vector<32x1024xf32>
    %get3A_56 = arith.constant 0 : index
    %get3A_57 = arith.constant 0 : index
    %get3A_58 = vector.load %arg4[%get3A_56, %get3A_57] : memref<1024x1024xbf16, #tpu.memory_space<vmem>>, vector<1024x1024xbf16>
    %convert_element_type3A_59 = arith.truncf %dot_general3A_55 : vector<32x1024xf32> to vector<32x1024xbf16>
    %dot_general3A_60 = arith.constant dense<0.000000e+00> : vector<32x1024xf32>
    %dot_general3A_61 = tpu.matmul %convert_element_type3A_59, %get3A_58, %dot_general3A_60 {dimension_numbers = #tpu.dot_dimension_numbers<[1], [0], [0], [1], [0, 0, 1, 1], [], []>, transpose_lhs_hint = false} : vector<32x1024xbf16>, vector<1024x1024xbf16>, vector<32x1024xf32> -> vector<32x1024xf32>
    %get3A_62 = arith.constant 0 : index
    %get3A_63 = arith.constant 0 : index
    %get3A_64 = vector.load %arg5[%get3A_62, %get3A_63] : memref<1x1024xf32, #tpu.memory_space<vmem>>, vector<1x1024xf32>
    %add3A = vector.broadcast %get3A_64 : vector<1x1024xf32> to vector<32x1024xf32>
    %add3A_65 = arith.addf %dot_general3A_61, %add3A : vector<32x1024xf32>
    %get3A_66 = arith.constant 0 : index
    %get3A_67 = arith.constant 0 : index
    %get3A_68 = vector.load %arg6[%get3A_66, %get3A_67] : memref<1024x1024xbf16, #tpu.memory_space<vmem>>, vector<1024x1024xbf16>
    %convert_element_type3A_69 = arith.truncf %add3A_65 : vector<32x1024xf32> to vector<32x1024xbf16>
    %dot_general3A_70 = arith.constant dense<0.000000e+00> : vector<32x1024xf32>
    %dot_general3A_71 = tpu.matmul %convert_element_type3A_69, %get3A_68, %dot_general3A_70 {dimension_numbers = #tpu.dot_dimension_numbers<[1], [0], [0], [1], [0, 0, 1, 1], [], []>, transpose_lhs_hint = false} : vector<32x1024xbf16>, vector<1024x1024xbf16>, vector<32x1024xf32> -> vector<32x1024xf32>
    %get3A_72 = arith.constant 0 : index
    %get3A_73 = arith.constant 0 : index
    %get3A_74 = vector.load %arg7[%get3A_72, %get3A_73] : memref<1x1024xf32, #tpu.memory_space<vmem>>, vector<1x1024xf32>
    %add3A_75 = vector.broadcast %get3A_74 : vector<1x1024xf32> to vector<32x1024xf32>
    %add3A_76 = arith.addf %dot_general3A_71, %add3A_75 : vector<32x1024xf32>
    %add3A_77 = arith.addf %dot_general3A_55, %add3A_76 : vector<32x1024xf32>
    %get3A_78 = arith.constant 0 : index
    %get3A_79 = arith.constant 0 : index
    %get3A_80 = vector.load %arg15[%get3A_78, %get3A_79] : memref<1x1024xf32, #tpu.memory_space<vmem>>, vector<1x1024xf32>
    %get3A_81 = arith.constant 0 : index
    %get3A_82 = arith.constant 0 : index
    %get3A_83 = vector.load %arg16[%get3A_81, %get3A_82] : memref<1x1024xf32, #tpu.memory_space<vmem>>, vector<1x1024xf32>
    %reduce_sum3A_84 = arith.constant dense<0.000000e+00> : vector<32xf32>
    %reduce_sum3A_85 = vector.multi_reduction <add>, %add3A_77, %reduce_sum3A_84 [1] : vector<32x1024xf32> to vector<32xf32>
    %broadcast_in_dim3A_86 = vector.shape_cast %reduce_sum3A_85 : vector<32xf32> to vector<32x1xf32>
    %div3A_87 = arith.constant 1.024000e+03 : f32
    %div3A_88 = vector.broadcast %div3A_87 : f32 to vector<32x1xf32>
    %div3A_89 = arith.divf %broadcast_in_dim3A_86, %div3A_88 : vector<32x1xf32>
    %sub3A = vector.broadcast %div3A_89 : vector<32x1xf32> to vector<32x1024xf32>
    %sub3A_90 = arith.subf %add3A_77, %sub3A : vector<32x1024xf32>
    %integer_pow3A = arith.mulf %sub3A_90, %sub3A_90 : vector<32x1024xf32>
    %reduce_sum3A_91 = arith.constant dense<0.000000e+00> : vector<32xf32>
    %reduce_sum3A_92 = vector.multi_reduction <add>, %integer_pow3A, %reduce_sum3A_91 [1] : vector<32x1024xf32> to vector<32xf32>
    %broadcast_in_dim3A_93 = vector.shape_cast %reduce_sum3A_92 : vector<32xf32> to vector<32x1xf32>
    %div3A_94 = arith.constant 1.024000e+03 : f32
    %div3A_95 = vector.broadcast %div3A_94 : f32 to vector<32x1xf32>
    %div3A_96 = arith.divf %broadcast_in_dim3A_93, %div3A_95 : vector<32x1xf32>
    %sub3A_97 = vector.broadcast %div3A_89 : vector<32x1xf32> to vector<32x1024xf32>
    %sub3A_98 = arith.subf %add3A_77, %sub3A_97 : vector<32x1024xf32>
    %add3A_99 = arith.constant 9.99999974E-6 : f32
    %add3A_100 = vector.broadcast %add3A_99 : f32 to vector<32x1xf32>
    %add3A_101 = arith.addf %div3A_96, %add3A_100 : vector<32x1xf32>
    %sqrt3A_102 = math.sqrt %add3A_101 : vector<32x1xf32>
    %div3A_103 = vector.broadcast %sqrt3A_102 : vector<32x1xf32> to vector<32x1024xf32>
    %div3A_104 = arith.divf %sub3A_98, %div3A_103 : vector<32x1024xf32>
    %mul3A_105 = vector.broadcast %get3A_80 : vector<1x1024xf32> to vector<32x1024xf32>
    %mul3A_106 = arith.mulf %div3A_104, %mul3A_105 : vector<32x1024xf32>
    %add3A_107 = vector.broadcast %get3A_83 : vector<1x1024xf32> to vector<32x1024xf32>
    %add3A_108 = arith.addf %mul3A_106, %add3A_107 : vector<32x1024xf32>
    %get3A_109 = arith.constant 0 : index
    %get3A_110 = arith.constant 0 : index
    %get3A_111 = vector.load %arg8[%get3A_109, %get3A_110] : memref<1024x1024xbf16, #tpu.memory_space<vmem>>, vector<1024x1024xbf16>
    %convert_element_type3A_112 = arith.truncf %add3A_108 : vector<32x1024xf32> to vector<32x1024xbf16>
    %dot_general3A_113 = arith.constant dense<0.000000e+00> : vector<32x1024xf32>
    %dot_general3A_114 = tpu.matmul %convert_element_type3A_112, %get3A_111, %dot_general3A_113 {dimension_numbers = #tpu.dot_dimension_numbers<[1], [0], [0], [1], [0, 0, 1, 1], [], []>, transpose_lhs_hint = false} : vector<32x1024xbf16>, vector<1024x1024xbf16>, vector<32x1024xf32> -> vector<32x1024xf32>
    %get3A_115 = arith.constant 0 : index
    %get3A_116 = arith.constant 0 : index
    %get3A_117 = vector.load %arg9[%get3A_115, %get3A_116] : memref<1x1024xf32, #tpu.memory_space<vmem>>, vector<1x1024xf32>
    %add3A_118 = vector.broadcast %get3A_117 : vector<1x1024xf32> to vector<32x1024xf32>
    %add3A_119 = arith.addf %dot_general3A_114, %add3A_118 : vector<32x1024xf32>
    %max3A_120 = arith.constant 0.000000e+00 : f32
    %max3A_121 = vector.broadcast %max3A_120 : f32 to vector<32x1024xf32>
    %max3A_122 = arith.maximumf %add3A_119, %max3A_121 : vector<32x1024xf32>
    %get3A_123 = arith.constant 0 : index
    %get3A_124 = arith.constant 0 : index
    %get3A_125 = vector.load %arg10[%get3A_123, %get3A_124] : memref<1024x1024xbf16, #tpu.memory_space<vmem>>, vector<1024x1024xbf16>
    %convert_element_type3A_126 = arith.truncf %max3A_122 : vector<32x1024xf32> to vector<32x1024xbf16>
    %dot_general3A_127 = arith.constant dense<0.000000e+00> : vector<32x1024xf32>
    %dot_general3A_128 = tpu.matmul %convert_element_type3A_126, %get3A_125, %dot_general3A_127 {dimension_numbers = #tpu.dot_dimension_numbers<[1], [0], [0], [1], [0, 0, 1, 1], [], []>, transpose_lhs_hint = false} : vector<32x1024xbf16>, vector<1024x1024xbf16>, vector<32x1024xf32> -> vector<32x1024xf32>
    %get3A_129 = arith.constant 0 : index
    %get3A_130 = arith.constant 0 : index
    %get3A_131 = vector.load %arg11[%get3A_129, %get3A_130] : memref<1x1024xf32, #tpu.memory_space<vmem>>, vector<1x1024xf32>
    %add3A_132 = vector.broadcast %get3A_131 : vector<1x1024xf32> to vector<32x1024xf32>
    %add3A_133 = arith.addf %dot_general3A_128, %add3A_132 : vector<32x1024xf32>
    %add3A_134 = arith.addf %add3A_108, %add3A_133 : vector<32x1024xf32>
    %get3A_135 = arith.constant 0 : index
    %get3A_136 = arith.constant 0 : index
    %get3A_137 = vector.load %arg17[%get3A_135, %get3A_136] : memref<1x1024xf32, #tpu.memory_space<vmem>>, vector<1x1024xf32>
    %get3A_138 = arith.constant 0 : index
    %get3A_139 = arith.constant 0 : index
    %get3A_140 = vector.load %arg18[%get3A_138, %get3A_139] : memref<1x1024xf32, #tpu.memory_space<vmem>>, vector<1x1024xf32>
    %reduce_sum3A_141 = arith.constant dense<0.000000e+00> : vector<32xf32>
    %reduce_sum3A_142 = vector.multi_reduction <add>, %add3A_134, %reduce_sum3A_141 [1] : vector<32x1024xf32> to vector<32xf32>
    %broadcast_in_dim3A_143 = vector.shape_cast %reduce_sum3A_142 : vector<32xf32> to vector<32x1xf32>
    %div3A_144 = arith.constant 1.024000e+03 : f32
    %div3A_145 = vector.broadcast %div3A_144 : f32 to vector<32x1xf32>
    %div3A_146 = arith.divf %broadcast_in_dim3A_143, %div3A_145 : vector<32x1xf32>
    %sub3A_147 = vector.broadcast %div3A_146 : vector<32x1xf32> to vector<32x1024xf32>
    %sub3A_148 = arith.subf %add3A_134, %sub3A_147 : vector<32x1024xf32>
    %integer_pow3A_149 = arith.mulf %sub3A_148, %sub3A_148 : vector<32x1024xf32>
    %reduce_sum3A_150 = arith.constant dense<0.000000e+00> : vector<32xf32>
    %reduce_sum3A_151 = vector.multi_reduction <add>, %integer_pow3A_149, %reduce_sum3A_150 [1] : vector<32x1024xf32> to vector<32xf32>
    %broadcast_in_dim3A_152 = vector.shape_cast %reduce_sum3A_151 : vector<32xf32> to vector<32x1xf32>
    %div3A_153 = arith.constant 1.024000e+03 : f32
    %div3A_154 = vector.broadcast %div3A_153 : f32 to vector<32x1xf32>
    %div3A_155 = arith.divf %broadcast_in_dim3A_152, %div3A_154 : vector<32x1xf32>
    %sub3A_156 = vector.broadcast %div3A_146 : vector<32x1xf32> to vector<32x1024xf32>
    %sub3A_157 = arith.subf %add3A_134, %sub3A_156 : vector<32x1024xf32>
    %add3A_158 = arith.constant 9.99999974E-6 : f32
    %add3A_159 = vector.broadcast %add3A_158 : f32 to vector<32x1xf32>
    %add3A_160 = arith.addf %div3A_155, %add3A_159 : vector<32x1xf32>
    %sqrt3A_161 = math.sqrt %add3A_160 : vector<32x1xf32>
    %div3A_162 = vector.broadcast %sqrt3A_161 : vector<32x1xf32> to vector<32x1024xf32>
    %div3A_163 = arith.divf %sub3A_157, %div3A_162 : vector<32x1024xf32>
    %mul3A_164 = vector.broadcast %get3A_137 : vector<1x1024xf32> to vector<32x1024xf32>
    %mul3A_165 = arith.mulf %div3A_163, %mul3A_164 : vector<32x1024xf32>
    %add3A_166 = vector.broadcast %get3A_140 : vector<1x1024xf32> to vector<32x1024xf32>
    %add3A_167 = arith.addf %mul3A_165, %add3A_166 : vector<32x1024xf32>
    %get3A_168 = arith.constant 0 : index
    %get3A_169 = arith.constant 0 : index
    %get3A_170 = vector.load %arg12[%get3A_168, %get3A_169] : memref<1024x1024xbf16, #tpu.memory_space<vmem>>, vector<1024x1024xbf16>
    %convert_element_type3A_171 = arith.truncf %add3A_167 : vector<32x1024xf32> to vector<32x1024xbf16>
    %dot_general3A_172 = arith.constant dense<0.000000e+00> : vector<32x1024xf32>
    %dot_general3A_173 = tpu.matmul %convert_element_type3A_171, %get3A_170, %dot_general3A_172 {dimension_numbers = #tpu.dot_dimension_numbers<[1], [0], [0], [1], [0, 0, 1, 1], [], []>, transpose_lhs_hint = false} : vector<32x1024xbf16>, vector<1024x1024xbf16>, vector<32x1024xf32> -> vector<32x1024xf32>
    %get3A_174 = arith.constant 0 : index
    %get3A_175 = arith.constant 0 : index
    %get3A_176 = vector.load %arg13[%get3A_174, %get3A_175] : memref<1x1024xf32, #tpu.memory_space<vmem>>, vector<1x1024xf32>
    %add3A_177 = vector.broadcast %get3A_176 : vector<1x1024xf32> to vector<32x1024xf32>
    %add3A_178 = arith.addf %dot_general3A_173, %add3A_177 : vector<32x1024xf32>
    %mul3A_179 = arith.constant 5.000000e-01 : f32
    %mul3A_180 = vector.broadcast %mul3A_179 : f32 to vector<32x1024xf32>
    %mul3A_181 = arith.mulf %mul3A_180, %add3A_178 : vector<32x1024xf32>
    %mul3A_182 = arith.constant 0.707106769 : f32
    %mul3A_183 = vector.broadcast %mul3A_182 : f32 to vector<32x1024xf32>
    %mul3A_184 = arith.mulf %add3A_178, %mul3A_183 : vector<32x1024xf32>
    %erf3A = math.erf %mul3A_184 : vector<32x1024xf32>
    %add3A_185 = arith.constant 1.000000e+00 : f32
    %add3A_186 = vector.broadcast %add3A_185 : f32 to vector<32x1024xf32>
    %add3A_187 = arith.addf %add3A_186, %erf3A : vector<32x1024xf32>
    %mul3A_188 = arith.mulf %mul3A_181, %add3A_187 : vector<32x1024xf32>
    %get3A_189 = arith.constant 0 : index
    %get3A_190 = arith.constant 0 : index
    %get3A_191 = vector.load %arg14[%get3A_189, %get3A_190] : memref<1024x4xbf16, #tpu.memory_space<vmem>>, vector<1024x4xbf16>
    %convert_element_type3A_192 = arith.truncf %mul3A_188 : vector<32x1024xf32> to vector<32x1024xbf16>
    %dot_general3A_193 = arith.constant dense<0.000000e+00> : vector<32x4xf32>
    %dot_general3A_194 = tpu.matmul %convert_element_type3A_192, %get3A_191, %dot_general3A_193 {dimension_numbers = #tpu.dot_dimension_numbers<[1], [0], [0], [1], [0, 0, 1, 1], [], []>, transpose_lhs_hint = false} : vector<32x1024xbf16>, vector<1024x4xbf16>, vector<32x4xf32> -> vector<32x4xf32>
    %get3A_195 = arith.constant 0 : index
    %get3A_196 = arith.constant 0 : index
    %get3A_197 = vector.load %arg3[%get3A_195, %get3A_196] : memref<32x1xf32, #tpu.memory_space<vmem>>, vector<32x1xf32>
    %convert_element_type3A_198 = arith.truncf %get3A_197 : vector<32x1xf32> to vector<32x1xbf16>
    %convert_element_type3A_199 = arith.extf %convert_element_type3A_198 : vector<32x1xbf16> to vector<32x1xf32>
    %convert_element_type3A_200 = arith.truncf %dot_general3A_194 : vector<32x4xf32> to vector<32x4xbf16>
    %convert_element_type3A_201 = arith.extf %convert_element_type3A_200 : vector<32x4xbf16> to vector<32x4xf32>
    %mul3A_202 = vector.broadcast %convert_element_type3A_199 : vector<32x1xf32> to vector<32x4xf32>
    %mul3A_203 = arith.mulf %mul3A_202, %convert_element_type3A_201 : vector<32x4xf32>
    %reduce_sum3A_204 = arith.constant dense<0.000000e+00> : vector<4xf32>
    %reduce_sum3A_205 = vector.multi_reduction <add>, %mul3A_203, %reduce_sum3A_204 [0] : vector<32x4xf32> to vector<4xf32>
    %broadcast_in_dim3A_206 = vector.shape_cast %reduce_sum3A_205 : vector<4xf32> to vector<1x4xf32>
    %swap3A = arith.constant 0 : index
    %swap3A_207 = arith.constant 0 : index
    %swap3A_208 = vector.load %arg19[%swap3A, %swap3A_207] : memref<1x4xf32, #tpu.memory_space<vmem>>, vector<1x4xf32>
    tpu.vector_store %arg19[%swap3A, %swap3A_207], %broadcast_in_dim3A_206 {strides = array<i32>} : memref<1x4xf32, #tpu.memory_space<vmem>>, vector<1x4xf32>,
    return
  }
}

module attributes {stable_mosaic.version = 14 : i64} {
  func.func @_feat_kernel(%arg0: i32, %arg1: i32, %arg2: memref<1x4x288x1024xf32, #tpu.memory_space<vmem>>, %arg3: memref<2336x1xf32, #tpu.memory_space<vmem>>, %arg4: memref<1024x8xf32, #tpu.memory_space<vmem>>, %arg5: memref<8x1024xbf16, #tpu.memory_space<vmem>>, %arg6: memref<1024x1024xbf16, #tpu.memory_space<vmem>>, %arg7: memref<1024x1024xbf16, #tpu.memory_space<vmem>>, %arg8: memref<1024x1024xbf16, #tpu.memory_space<vmem>>, %arg9: memref<1024x1024xbf16, #tpu.memory_space<vmem>>, %arg10: memref<1024x1024xbf16, #tpu.memory_space<vmem>>, %arg11: memref<1024x1024xbf16, #tpu.memory_space<vmem>>, %arg12: memref<1024x1024xbf16, #tpu.memory_space<vmem>>, %arg13: memref<1024x4xbf16, #tpu.memory_space<vmem>>, %arg14: memref<1x1024xf32, #tpu.memory_space<vmem>>, %arg15: memref<1x1024xf32, #tpu.memory_space<vmem>>, %arg16: memref<1x1024xf32, #tpu.memory_space<vmem>>, %arg17: memref<1x1024xf32, #tpu.memory_space<vmem>>, %arg18: memref<1x1024xf32, #tpu.memory_space<vmem>>, %arg19: memref<1x1024xf32, #tpu.memory_space<vmem>>, %arg20: memref<1x1024xf32, #tpu.memory_space<vmem>>, %arg21: memref<1x1024xf32, #tpu.memory_space<vmem>>, %arg22: memref<1x1024xf32, #tpu.memory_space<vmem>>, %arg23: memref<1x1024xf32, #tpu.memory_space<vmem>>, %arg24: memref<1x1024xf32, #tpu.memory_space<vmem>>, %arg25: memref<1x4xf32, #tpu.memory_space<vmem>>) attributes {dimension_semantics = [#tpu.dimension_semantics<arbitrary>, #tpu.dimension_semantics<arbitrary>], iteration_bounds = array<i64: 4, 2>, scalar_prefetch = 0 : i64, scratch_operands = 0 : i64, tpu.core_type = #tpu.core_type<tc>, window_params = [{transform_indices = @transform_0, window_bounds = array<i64: 1, 4, 288, 1024>}, {pipeline_mode = #tpu.pipeline_mode<synchronous>, transform_indices = @transform_1, window_bounds = array<i64: 2336, 1>}, {pipeline_mode = #tpu.pipeline_mode<synchronous>, transform_indices = @transform_2, window_bounds = array<i64: 1024, 8>}, {pipeline_mode = #tpu.pipeline_mode<synchronous>, transform_indices = @transform_3, window_bounds = array<i64: 8, 1024>}, {pipeline_mode = #tpu.pipeline_mode<synchronous>, transform_indices = @transform_4, window_bounds = array<i64: 1024, 1024>}, {pipeline_mode = #tpu.pipeline_mode<synchronous>, transform_indices = @transform_5, window_bounds = array<i64: 1024, 1024>}, {pipeline_mode = #tpu.pipeline_mode<synchronous>, transform_indices = @transform_6, window_bounds = array<i64: 1024, 1024>}, {pipeline_mode = #tpu.pipeline_mode<synchronous>, transform_indices = @transform_7, window_bounds = array<i64: 1024, 1024>}, {pipeline_mode = #tpu.pipeline_mode<synchronous>, transform_indices = @transform_8, window_bounds = array<i64: 1024, 1024>}, {pipeline_mode = #tpu.pipeline_mode<synchronous>, transform_indices = @transform_9, window_bounds = array<i64: 1024, 1024>}, {pipeline_mode = #tpu.pipeline_mode<synchronous>, transform_indices = @transform_10, window_bounds = array<i64: 1024, 1024>}, {pipeline_mode = #tpu.pipeline_mode<synchronous>, transform_indices = @transform_11, window_bounds = array<i64: 1024, 4>}, {pipeline_mode = #tpu.pipeline_mode<synchronous>, transform_indices = @transform_12, window_bounds = array<i64: 1, 1024>}, {pipeline_mode = #tpu.pipeline_mode<synchronous>, transform_indices = @transform_13, window_bounds = array<i64: 1, 1024>}, {pipeline_mode = #tpu.pipeline_mode<synchronous>, transform_indices = @transform_14, window_bounds = array<i64: 1, 1024>}, {pipeline_mode = #tpu.pipeline_mode<synchronous>, transform_indices = @transform_15, window_bounds = array<i64: 1, 1024>}, {pipeline_mode = #tpu.pipeline_mode<synchronous>, transform_indices = @transform_16, window_bounds = array<i64: 1, 1024>}, {pipeline_mode = #tpu.pipeline_mode<synchronous>, transform_indices = @transform_17, window_bounds = array<i64: 1, 1024>}, {pipeline_mode = #tpu.pipeline_mode<synchronous>, transform_indices = @transform_18, window_bounds = array<i64: 1, 1024>}, {pipeline_mode = #tpu.pipeline_mode<synchronous>, transform_indices = @transform_19, window_bounds = array<i64: 1, 1024>}, {pipeline_mode = #tpu.pipeline_mode<synchronous>, transform_indices = @transform_20, window_bounds = array<i64: 1, 1024>}, {pipeline_mode = #tpu.pipeline_mode<synchronous>, transform_indices = @transform_21, window_bounds = array<i64: 1, 1024>}, {pipeline_mode = #tpu.pipeline_mode<synchronous>, transform_indices = @transform_22, window_bounds = array<i64: 1, 1024>}, {pipeline_mode = #tpu.pipeline_mode<synchronous>, transform_indices = @transform_23, window_bounds = array<i64: 1, 4>}]} {
    %get3A = arith.constant 0 : index
    %get3A_0 = arith.constant 0 : index
    %get3A_1 = arith.constant 0 : index
    %get3A_2 = arith.constant 0 : index
    %get3A_3 = vector.load %arg2[%get3A, %get3A_0, %get3A_1, %get3A_2] : memref<1x4x288x1024xf32, #tpu.memory_space<vmem>>, vector<1x4x288x1024xf32>
    %get3A_4 = vector.shape_cast %get3A_3 : vector<1x4x288x1024xf32> to vector<4x288x1024xf32>
    %reshape3A = vector.shape_cast %get3A_4 : vector<4x288x1024xf32> to vector<1152x1024xf32>
    %get3A_5 = arith.constant 0 : index
    %get3A_6 = arith.constant 0 : index
    %get3A_7 = vector.load %arg6[%get3A_5, %get3A_6] : memref<1024x1024xbf16, #tpu.memory_space<vmem>>, vector<1024x1024xbf16>
    %convert_element_type3A = arith.truncf %reshape3A : vector<1152x1024xf32> to vector<1152x1024xbf16>
    %dot_general3A = arith.constant dense<0.000000e+00> : vector<1152x1024xf32>
    %dot_general3A_8 = tpu.matmul %convert_element_type3A, %get3A_7, %dot_general3A {dimension_numbers = #tpu.dot_dimension_numbers<[1], [0], [0], [1], [0, 0, 1, 1], [], []>, transpose_lhs_hint = false} : vector<1152x1024xbf16>, vector<1024x1024xbf16>, vector<1152x1024xf32> -> vector<1152x1024xf32>
    %get3A_9 = arith.constant 0 : index
    %get3A_10 = arith.constant 0 : index
    %get3A_11 = vector.load %arg14[%get3A_9, %get3A_10] : memref<1x1024xf32, #tpu.memory_space<vmem>>, vector<1x1024xf32>
    %add3A = vector.broadcast %get3A_11 : vector<1x1024xf32> to vector<1152x1024xf32>
    %add3A_12 = arith.addf %dot_general3A_8, %add3A : vector<1152x1024xf32>
    %get3A_13 = arith.constant 0 : index
    %get3A_14 = arith.constant 0 : index
    %get3A_15 = vector.load %arg7[%get3A_13, %get3A_14] : memref<1024x1024xbf16, #tpu.memory_space<vmem>>, vector<1024x1024xbf16>
    %convert_element_type3A_16 = arith.truncf %reshape3A : vector<1152x1024xf32> to vector<1152x1024xbf16>
    %dot_general3A_17 = arith.constant dense<0.000000e+00> : vector<1152x1024xf32>
    %dot_general3A_18 = tpu.matmul %convert_element_type3A_16, %get3A_15, %dot_general3A_17 {dimension_numbers = #tpu.dot_dimension_numbers<[1], [0], [0], [1], [0, 0, 1, 1], [], []>, transpose_lhs_hint = false} : vector<1152x1024xbf16>, vector<1024x1024xbf16>, vector<1152x1024xf32> -> vector<1152x1024xf32>
    %get3A_19 = arith.constant 0 : index
    %get3A_20 = arith.constant 0 : index
    %get3A_21 = vector.load %arg15[%get3A_19, %get3A_20] : memref<1x1024xf32, #tpu.memory_space<vmem>>, vector<1x1024xf32>
    %add3A_22 = vector.broadcast %get3A_21 : vector<1x1024xf32> to vector<1152x1024xf32>
    %add3A_23 = arith.addf %dot_general3A_18, %add3A_22 : vector<1152x1024xf32>
    %get3A_24 = arith.constant 0 : index
    %get3A_25 = arith.constant 0 : index
    %get3A_26 = vector.load %arg8[%get3A_24, %get3A_25] : memref<1024x1024xbf16, #tpu.memory_space<vmem>>, vector<1024x1024xbf16>
    %convert_element_type3A_27 = arith.truncf %reshape3A : vector<1152x1024xf32> to vector<1152x1024xbf16>
    %dot_general3A_28 = arith.constant dense<0.000000e+00> : vector<1152x1024xf32>
    %dot_general3A_29 = tpu.matmul %convert_element_type3A_27, %get3A_26, %dot_general3A_28 {dimension_numbers = #tpu.dot_dimension_numbers<[1], [0], [0], [1], [0, 0, 1, 1], [], []>, transpose_lhs_hint = false} : vector<1152x1024xbf16>, vector<1024x1024xbf16>, vector<1152x1024xf32> -> vector<1152x1024xf32>
    %get3A_30 = arith.constant 0 : index
    %get3A_31 = arith.constant 0 : index
    %get3A_32 = vector.load %arg16[%get3A_30, %get3A_31] : memref<1x1024xf32, #tpu.memory_space<vmem>>, vector<1x1024xf32>
    %add3A_33 = vector.broadcast %get3A_32 : vector<1x1024xf32> to vector<1152x1024xf32>
    %add3A_34 = arith.addf %dot_general3A_29, %add3A_33 : vector<1152x1024xf32>
    %slice3A = vector.extract_strided_slice %add3A_12 {offsets = [0, 0], sizes = [288, 1024], strides = [1, 1]} : vector<1152x1024xf32> to vector<288x1024xf32>
    %convert_element_type3A_35 = arith.truncf %slice3A : vector<288x1024xf32> to vector<288x1024xbf16>
    %convert_element_type3A_36 = arith.extf %convert_element_type3A_35 : vector<288x1024xbf16> to vector<288x1024xf32>
    %slice3A_37 = vector.extract_strided_slice %add3A_12 {offsets = [288, 0], sizes = [288, 1024], strides = [1, 1]} : vector<1152x1024xf32> to vector<288x1024xf32>
    %convert_element_type3A_38 = arith.truncf %slice3A_37 : vector<288x1024xf32> to vector<288x1024xbf16>
    %convert_element_type3A_39 = arith.extf %convert_element_type3A_38 : vector<288x1024xbf16> to vector<288x1024xf32>
    %slice3A_40 = vector.extract_strided_slice %add3A_12 {offsets = [576, 0], sizes = [288, 1024], strides = [1, 1]} : vector<1152x1024xf32> to vector<288x1024xf32>
    %convert_element_type3A_41 = arith.truncf %slice3A_40 : vector<288x1024xf32> to vector<288x1024xbf16>
    %convert_element_type3A_42 = arith.extf %convert_element_type3A_41 : vector<288x1024xbf16> to vector<288x1024xf32>
    %slice3A_43 = vector.extract_strided_slice %add3A_12 {offsets = [864, 0], sizes = [288, 1024], strides = [1, 1]} : vector<1152x1024xf32> to vector<288x1024xf32>
    %convert_element_type3A_44 = arith.truncf %slice3A_43 : vector<288x1024xf32> to vector<288x1024xbf16>
    %convert_element_type3A_45 = arith.extf %convert_element_type3A_44 : vector<288x1024xbf16> to vector<288x1024xf32>
    %slice3A_46 = vector.extract_strided_slice %add3A_23 {offsets = [0, 0], sizes = [288, 1024], strides = [1, 1]} : vector<1152x1024xf32> to vector<288x1024xf32>
    %convert_element_type3A_47 = arith.truncf %slice3A_46 : vector<288x1024xf32> to vector<288x1024xbf16>
    %convert_element_type3A_48 = arith.extf %convert_element_type3A_47 : vector<288x1024xbf16> to vector<288x1024xf32>
    %slice3A_49 = vector.extract_strided_slice %add3A_23 {offsets = [288, 0], sizes = [288, 1024], strides = [1, 1]} : vector<1152x1024xf32> to vector<288x1024xf32>
    %convert_element_type3A_50 = arith.truncf %slice3A_49 : vector<288x1024xf32> to vector<288x1024xbf16>
    %convert_element_type3A_51 = arith.extf %convert_element_type3A_50 : vector<288x1024xbf16> to vector<288x1024xf32>
    %slice3A_52 = vector.extract_strided_slice %add3A_23 {offsets = [576, 0], sizes = [288, 1024], strides = [1, 1]} : vector<1152x1024xf32> to vector<288x1024xf32>
    %convert_element_type3A_53 = arith.truncf %slice3A_52 : vector<288x1024xf32> to vector<288x1024xbf16>
    %convert_element_type3A_54 = arith.extf %convert_element_type3A_53 : vector<288x1024xbf16> to vector<288x1024xf32>
    %slice3A_55 = vector.extract_strided_slice %add3A_23 {offsets = [864, 0], sizes = [288, 1024], strides = [1, 1]} : vector<1152x1024xf32> to vector<288x1024xf32>
    %convert_element_type3A_56 = arith.truncf %slice3A_55 : vector<288x1024xf32> to vector<288x1024xbf16>
    %convert_element_type3A_57 = arith.extf %convert_element_type3A_56 : vector<288x1024xbf16> to vector<288x1024xf32>
    %slice3A_58 = vector.extract_strided_slice %add3A_34 {offsets = [0, 0], sizes = [288, 1024], strides = [1, 1]} : vector<1152x1024xf32> to vector<288x1024xf32>
    %convert_element_type3A_59 = arith.truncf %slice3A_58 : vector<288x1024xf32> to vector<288x1024xbf16>
    %convert_element_type3A_60 = arith.extf %convert_element_type3A_59 : vector<288x1024xbf16> to vector<288x1024xf32>
    %slice3A_61 = vector.extract_strided_slice %add3A_34 {offsets = [288, 0], sizes = [288, 1024], strides = [1, 1]} : vector<1152x1024xf32> to vector<288x1024xf32>
    %convert_element_type3A_62 = arith.truncf %slice3A_61 : vector<288x1024xf32> to vector<288x1024xbf16>
    %convert_element_type3A_63 = arith.extf %convert_element_type3A_62 : vector<288x1024xbf16> to vector<288x1024xf32>
    %slice3A_64 = vector.extract_strided_slice %add3A_34 {offsets = [576, 0], sizes = [288, 1024], strides = [1, 1]} : vector<1152x1024xf32> to vector<288x1024xf32>
    %convert_element_type3A_65 = arith.truncf %slice3A_64 : vector<288x1024xf32> to vector<288x1024xbf16>
    %convert_element_type3A_66 = arith.extf %convert_element_type3A_65 : vector<288x1024xbf16> to vector<288x1024xf32>
    %slice3A_67 = vector.extract_strided_slice %add3A_34 {offsets = [864, 0], sizes = [288, 1024], strides = [1, 1]} : vector<1152x1024xf32> to vector<288x1024xf32>
    %convert_element_type3A_68 = arith.truncf %slice3A_67 : vector<288x1024xf32> to vector<288x1024xbf16>
    %convert_element_type3A_69 = arith.extf %convert_element_type3A_68 : vector<288x1024xbf16> to vector<288x1024xf32>
    %mul3A = arith.mulf %convert_element_type3A_36, %convert_element_type3A_48 : vector<288x1024xf32>
    %convert_element_type3A_70 = arith.truncf %mul3A : vector<288x1024xf32> to vector<288x1024xbf16>
    %convert_element_type3A_71 = arith.extf %convert_element_type3A_70 : vector<288x1024xbf16> to vector<288x1024xf32>
    %sub3A = arith.subf %mul3A, %convert_element_type3A_71 : vector<288x1024xf32>
    %convert_element_type3A_72 = arith.truncf %sub3A : vector<288x1024xf32> to vector<288x1024xbf16>
    %get3A_73 = arith.constant 0 : index
    %get3A_74 = arith.constant 0 : index
    %get3A_75 = vector.load %arg4[%get3A_73, %get3A_74] : memref<1024x8xf32, #tpu.memory_space<vmem>>, vector<1024x8xf32>
    %dot_general3A_76 = arith.constant dense<0.000000e+00> : vector<288x8xf32>
    %dot_general3A_77 = tpu.matmul %convert_element_type3A_70, %get3A_75, %dot_general3A_76 {dimension_numbers = #tpu.dot_dimension_numbers<[1], [0], [0], [1], [0, 0, 1, 1], [], []>, transpose_lhs_hint = false} : vector<288x1024xbf16>, vector<1024x8xf32>, vector<288x8xf32> -> vector<288x8xf32>
    %get3A_78 = arith.constant 0 : index
    %get3A_79 = arith.constant 0 : index
    %get3A_80 = vector.load %arg4[%get3A_78, %get3A_79] : memref<1024x8xf32, #tpu.memory_space<vmem>>, vector<1024x8xf32>
    %dot_general3A_81 = arith.constant dense<0.000000e+00> : vector<288x8xf32>
    %dot_general3A_82 = tpu.matmul %convert_element_type3A_72, %get3A_80, %dot_general3A_81 {dimension_numbers = #tpu.dot_dimension_numbers<[1], [0], [0], [1], [0, 0, 1, 1], [], []>, transpose_lhs_hint = false} : vector<288x1024xbf16>, vector<1024x8xf32>, vector<288x8xf32> -> vector<288x8xf32>
    %add3A_83 = arith.addf %dot_general3A_77, %dot_general3A_82 : vector<288x8xf32>
    %mul3A_84 = arith.constant 0.0883883461 : f32
    %mul3A_85 = vector.broadcast %mul3A_84 : f32 to vector<288x8xf32>
    %mul3A_86 = arith.mulf %add3A_83, %mul3A_85 : vector<288x8xf32>
    %mul3A_87 = arith.mulf %convert_element_type3A_36, %convert_element_type3A_51 : vector<288x1024xf32>
    %convert_element_type3A_88 = arith.truncf %mul3A_87 : vector<288x1024xf32> to vector<288x1024xbf16>
    %convert_element_type3A_89 = arith.extf %convert_element_type3A_88 : vector<288x1024xbf16> to vector<288x1024xf32>
    %sub3A_90 = arith.subf %mul3A_87, %convert_element_type3A_89 : vector<288x1024xf32>
    %convert_element_type3A_91 = arith.truncf %sub3A_90 : vector<288x1024xf32> to vector<288x1024xbf16>
    %get3A_92 = arith.constant 0 : index
    %get3A_93 = arith.constant 0 : index
    %get3A_94 = vector.load %arg4[%get3A_92, %get3A_93] : memref<1024x8xf32, #tpu.memory_space<vmem>>, vector<1024x8xf32>
    %dot_general3A_95 = arith.constant dense<0.000000e+00> : vector<288x8xf32>
    %dot_general3A_96 = tpu.matmul %convert_element_type3A_88, %get3A_94, %dot_general3A_95 {dimension_numbers = #tpu.dot_dimension_numbers<[1], [0], [0], [1], [0, 0, 1, 1], [], []>, transpose_lhs_hint = false} : vector<288x1024xbf16>, vector<1024x8xf32>, vector<288x8xf32> -> vector<288x8xf32>
    %get3A_97 = arith.constant 0 : index
    %get3A_98 = arith.constant 0 : index
    %get3A_99 = vector.load %arg4[%get3A_97, %get3A_98] : memref<1024x8xf32, #tpu.memory_space<vmem>>, vector<1024x8xf32>
    %dot_general3A_100 = arith.constant dense<0.000000e+00> : vector<288x8xf32>
    %dot_general3A_101 = tpu.matmul %convert_element_type3A_91, %get3A_99, %dot_general3A_100 {dimension_numbers = #tpu.dot_dimension_numbers<[1], [0], [0], [1], [0, 0, 1, 1], [], []>, transpose_lhs_hint = false} : vector<288x1024xbf16>, vector<1024x8xf32>, vector<288x8xf32> -> vector<288x8xf32>
    %add3A_102 = arith.addf %dot_general3A_96, %dot_general3A_101 : vector<288x8xf32>
    %mul3A_103 = arith.constant 0.0883883461 : f32
    %mul3A_104 = vector.broadcast %mul3A_103 : f32 to vector<288x8xf32>
    %mul3A_105 = arith.mulf %add3A_102, %mul3A_104 : vector<288x8xf32>
    %mul3A_106 = arith.mulf %convert_element_type3A_36, %convert_element_type3A_54 : vector<288x1024xf32>
    %convert_element_type3A_107 = arith.truncf %mul3A_106 : vector<288x1024xf32> to vector<288x1024xbf16>
    %convert_element_type3A_108 = arith.extf %convert_element_type3A_107 : vector<288x1024xbf16> to vector<288x1024xf32>
    %sub3A_109 = arith.subf %mul3A_106, %convert_element_type3A_108 : vector<288x1024xf32>
    %convert_element_type3A_110 = arith.truncf %sub3A_109 : vector<288x1024xf32> to vector<288x1024xbf16>
    %get3A_111 = arith.constant 0 : index
    %get3A_112 = arith.constant 0 : index
    %get3A_113 = vector.load %arg4[%get3A_111, %get3A_112] : memref<1024x8xf32, #tpu.memory_space<vmem>>, vector<1024x8xf32>
    %dot_general3A_114 = arith.constant dense<0.000000e+00> : vector<288x8xf32>
    %dot_general3A_115 = tpu.matmul %convert_element_type3A_107, %get3A_113, %dot_general3A_114 {dimension_numbers = #tpu.dot_dimension_numbers<[1], [0], [0], [1], [0, 0, 1, 1], [], []>, transpose_lhs_hint = false} : vector<288x1024xbf16>, vector<1024x8xf32>, vector<288x8xf32> -> vector<288x8xf32>
    %get3A_116 = arith.constant 0 : index
    %get3A_117 = arith.constant 0 : index
    %get3A_118 = vector.load %arg4[%get3A_116, %get3A_117] : memref<1024x8xf32, #tpu.memory_space<vmem>>, vector<1024x8xf32>
    %dot_general3A_119 = arith.constant dense<0.000000e+00> : vector<288x8xf32>
    %dot_general3A_120 = tpu.matmul %convert_element_type3A_110, %get3A_118, %dot_general3A_119 {dimension_numbers = #tpu.dot_dimension_numbers<[1], [0], [0], [1], [0, 0, 1, 1], [], []>, transpose_lhs_hint = false} : vector<288x1024xbf16>, vector<1024x8xf32>, vector<288x8xf32> -> vector<288x8xf32>
    %add3A_121 = arith.addf %dot_general3A_115, %dot_general3A_120 : vector<288x8xf32>
    %mul3A_122 = arith.constant 0.0883883461 : f32
    %mul3A_123 = vector.broadcast %mul3A_122 : f32 to vector<288x8xf32>
    %mul3A_124 = arith.mulf %add3A_121, %mul3A_123 : vector<288x8xf32>
    %mul3A_125 = arith.mulf %convert_element_type3A_36, %convert_element_type3A_57 : vector<288x1024xf32>
    %convert_element_type3A_126 = arith.truncf %mul3A_125 : vector<288x1024xf32> to vector<288x1024xbf16>
    %convert_element_type3A_127 = arith.extf %convert_element_type3A_126 : vector<288x1024xbf16> to vector<288x1024xf32>
    %sub3A_128 = arith.subf %mul3A_125, %convert_element_type3A_127 : vector<288x1024xf32>
    %convert_element_type3A_129 = arith.truncf %sub3A_128 : vector<288x1024xf32> to vector<288x1024xbf16>
    %get3A_130 = arith.constant 0 : index
    %get3A_131 = arith.constant 0 : index
    %get3A_132 = vector.load %arg4[%get3A_130, %get3A_131] : memref<1024x8xf32, #tpu.memory_space<vmem>>, vector<1024x8xf32>
    %dot_general3A_133 = arith.constant dense<0.000000e+00> : vector<288x8xf32>
    %dot_general3A_134 = tpu.matmul %convert_element_type3A_126, %get3A_132, %dot_general3A_133 {dimension_numbers = #tpu.dot_dimension_numbers<[1], [0], [0], [1], [0, 0, 1, 1], [], []>, transpose_lhs_hint = false} : vector<288x1024xbf16>, vector<1024x8xf32>, vector<288x8xf32> -> vector<288x8xf32>
    %get3A_135 = arith.constant 0 : index
    %get3A_136 = arith.constant 0 : index
    %get3A_137 = vector.load %arg4[%get3A_135, %get3A_136] : memref<1024x8xf32, #tpu.memory_space<vmem>>, vector<1024x8xf32>
    %dot_general3A_138 = arith.constant dense<0.000000e+00> : vector<288x8xf32>
    %dot_general3A_139 = tpu.matmul %convert_element_type3A_129, %get3A_137, %dot_general3A_138 {dimension_numbers = #tpu.dot_dimension_numbers<[1], [0], [0], [1], [0, 0, 1, 1], [], []>, transpose_lhs_hint = false} : vector<288x1024xbf16>, vector<1024x8xf32>, vector<288x8xf32> -> vector<288x8xf32>
    %add3A_140 = arith.addf %dot_general3A_134, %dot_general3A_139 : vector<288x8xf32>
    %mul3A_141 = arith.constant 0.0883883461 : f32
    %mul3A_142 = vector.broadcast %mul3A_141 : f32 to vector<288x8xf32>
    %mul3A_143 = arith.mulf %add3A_140, %mul3A_142 : vector<288x8xf32>
    %max3A = arith.maximumf %mul3A_86, %mul3A_105 : vector<288x8xf32>
    %max3A_144 = arith.maximumf %mul3A_124, %mul3A_143 : vector<288x8xf32>
    %max3A_145 = arith.maximumf %max3A, %max3A_144 : vector<288x8xf32>
    %sub3A_146 = arith.subf %mul3A_86, %max3A_145 : vector<288x8xf32>
    %exp3A = math.exp %sub3A_146 : vector<288x8xf32>
    %sub3A_147 = arith.subf %mul3A_105, %max3A_145 : vector<288x8xf32>
    %exp3A_148 = math.exp %sub3A_147 : vector<288x8xf32>
    %sub3A_149 = arith.subf %mul3A_124, %max3A_145 : vector<288x8xf32>
    %exp3A_150 = math.exp %sub3A_149 : vector<288x8xf32>
    %sub3A_151 = arith.subf %mul3A_143, %max3A_145 : vector<288x8xf32>
    %exp3A_152 = math.exp %sub3A_151 : vector<288x8xf32>
    %add3A_153 = arith.addf %exp3A, %exp3A_148 : vector<288x8xf32>
    %add3A_154 = arith.addf %add3A_153, %exp3A_150 : vector<288x8xf32>
    %add3A_155 = arith.addf %add3A_154, %exp3A_152 : vector<288x8xf32>
    %div3A = arith.divf %exp3A, %add3A_155 : vector<288x8xf32>
    %convert_element_type3A_156 = arith.truncf %div3A : vector<288x8xf32> to vector<288x8xbf16>
    %get3A_157 = arith.constant 0 : index
    %get3A_158 = arith.constant 0 : index
    %get3A_159 = vector.load %arg5[%get3A_157, %get3A_158] : memref<8x1024xbf16, #tpu.memory_space<vmem>>, vector<8x1024xbf16>
    %dot_general3A_160 = arith.constant dense<0.000000e+00> : vector<288x1024xf32>
    %dot_general3A_161 = tpu.matmul %convert_element_type3A_156, %get3A_159, %dot_general3A_160 {dimension_numbers = #tpu.dot_dimension_numbers<[1], [0], [0], [1], [0, 0, 1, 1], [], []>, transpose_lhs_hint = false} : vector<288x8xbf16>, vector<8x1024xbf16>, vector<288x1024xf32> -> vector<288x1024xf32>
    %mul3A_162 = arith.mulf %dot_general3A_161, %convert_element_type3A_60 : vector<288x1024xf32>
    %div3A_163 = arith.divf %exp3A_148, %add3A_155 : vector<288x8xf32>
    %convert_element_type3A_164 = arith.truncf %div3A_163 : vector<288x8xf32> to vector<288x8xbf16>
    %get3A_165 = arith.constant 0 : index
    %get3A_166 = arith.constant 0 : index
    %get3A_167 = vector.load %arg5[%get3A_165, %get3A_166] : memref<8x1024xbf16, #tpu.memory_space<vmem>>, vector<8x1024xbf16>
    %dot_general3A_168 = arith.constant dense<0.000000e+00> : vector<288x1024xf32>
    %dot_general3A_169 = tpu.matmul %convert_element_type3A_164, %get3A_167, %dot_general3A_168 {dimension_numbers = #tpu.dot_dimension_numbers<[1], [0], [0], [1], [0, 0, 1, 1], [], []>, transpose_lhs_hint = false} : vector<288x8xbf16>, vector<8x1024xbf16>, vector<288x1024xf32> -> vector<288x1024xf32>
    %mul3A_170 = arith.mulf %dot_general3A_169, %convert_element_type3A_63 : vector<288x1024xf32>
    %add3A_171 = arith.addf %mul3A_162, %mul3A_170 : vector<288x1024xf32>
    %div3A_172 = arith.divf %exp3A_150, %add3A_155 : vector<288x8xf32>
    %convert_element_type3A_173 = arith.truncf %div3A_172 : vector<288x8xf32> to vector<288x8xbf16>
    %get3A_174 = arith.constant 0 : index
    %get3A_175 = arith.constant 0 : index
    %get3A_176 = vector.load %arg5[%get3A_174, %get3A_175] : memref<8x1024xbf16, #tpu.memory_space<vmem>>, vector<8x1024xbf16>
    %dot_general3A_177 = arith.constant dense<0.000000e+00> : vector<288x1024xf32>
    %dot_general3A_178 = tpu.matmul %convert_element_type3A_173, %get3A_176, %dot_general3A_177 {dimension_numbers = #tpu.dot_dimension_numbers<[1], [0], [0], [1], [0, 0, 1, 1], [], []>, transpose_lhs_hint = false} : vector<288x8xbf16>, vector<8x1024xbf16>, vector<288x1024xf32> -> vector<288x1024xf32>
    %mul3A_179 = arith.mulf %dot_general3A_178, %convert_element_type3A_66 : vector<288x1024xf32>
    %add3A_180 = arith.addf %add3A_171, %mul3A_179 : vector<288x1024xf32>
    %div3A_181 = arith.divf %exp3A_152, %add3A_155 : vector<288x8xf32>
    %convert_element_type3A_182 = arith.truncf %div3A_181 : vector<288x8xf32> to vector<288x8xbf16>
    %get3A_183 = arith.constant 0 : index
    %get3A_184 = arith.constant 0 : index
    %get3A_185 = vector.load %arg5[%get3A_183, %get3A_184] : memref<8x1024xbf16, #tpu.memory_space<vmem>>, vector<8x1024xbf16>
    %dot_general3A_186 = arith.constant dense<0.000000e+00> : vector<288x1024xf32>
    %dot_general3A_187 = tpu.matmul %convert_element_type3A_182, %get3A_185, %dot_general3A_186 {dimension_numbers = #tpu.dot_dimension_numbers<[1], [0], [0], [1], [0, 0, 1, 1], [], []>, transpose_lhs_hint = false} : vector<288x8xbf16>, vector<8x1024xbf16>, vector<288x1024xf32> -> vector<288x1024xf32>
    %mul3A_188 = arith.mulf %dot_general3A_187, %convert_element_type3A_69 : vector<288x1024xf32>
    %add3A_189 = arith.addf %add3A_180, %mul3A_188 : vector<288x1024xf32>
    %mul3A_190 = arith.mulf %convert_element_type3A_39, %convert_element_type3A_48 : vector<288x1024xf32>
    %convert_element_type3A_191 = arith.truncf %mul3A_190 : vector<288x1024xf32> to vector<288x1024xbf16>
    %convert_element_type3A_192 = arith.extf %convert_element_type3A_191 : vector<288x1024xbf16> to vector<288x1024xf32>
    %sub3A_193 = arith.subf %mul3A_190, %convert_element_type3A_192 : vector<288x1024xf32>
    %convert_element_type3A_194 = arith.truncf %sub3A_193 : vector<288x1024xf32> to vector<288x1024xbf16>
    %get3A_195 = arith.constant 0 : index
    %get3A_196 = arith.constant 0 : index
    %get3A_197 = vector.load %arg4[%get3A_195, %get3A_196] : memref<1024x8xf32, #tpu.memory_space<vmem>>, vector<1024x8xf32>
    %dot_general3A_198 = arith.constant dense<0.000000e+00> : vector<288x8xf32>
    %dot_general3A_199 = tpu.matmul %convert_element_type3A_191, %get3A_197, %dot_general3A_198 {dimension_numbers = #tpu.dot_dimension_numbers<[1], [0], [0], [1], [0, 0, 1, 1], [], []>, transpose_lhs_hint = false} : vector<288x1024xbf16>, vector<1024x8xf32>, vector<288x8xf32> -> vector<288x8xf32>
    %get3A_200 = arith.constant 0 : index
    %get3A_201 = arith.constant 0 : index
    %get3A_202 = vector.load %arg4[%get3A_200, %get3A_201] : memref<1024x8xf32, #tpu.memory_space<vmem>>, vector<1024x8xf32>
    %dot_general3A_203 = arith.constant dense<0.000000e+00> : vector<288x8xf32>
    %dot_general3A_204 = tpu.matmul %convert_element_type3A_194, %get3A_202, %dot_general3A_203 {dimension_numbers = #tpu.dot_dimension_numbers<[1], [0], [0], [1], [0, 0, 1, 1], [], []>, transpose_lhs_hint = false} : vector<288x1024xbf16>, vector<1024x8xf32>, vector<288x8xf32> -> vector<288x8xf32>
    %add3A_205 = arith.addf %dot_general3A_199, %dot_general3A_204 : vector<288x8xf32>
    %mul3A_206 = arith.constant 0.0883883461 : f32
    %mul3A_207 = vector.broadcast %mul3A_206 : f32 to vector<288x8xf32>
    %mul3A_208 = arith.mulf %add3A_205, %mul3A_207 : vector<288x8xf32>
    %mul3A_209 = arith.mulf %convert_element_type3A_39, %convert_element_type3A_51 : vector<288x1024xf32>
    %convert_element_type3A_210 = arith.truncf %mul3A_209 : vector<288x1024xf32> to vector<288x1024xbf16>
    %convert_element_type3A_211 = arith.extf %convert_element_type3A_210 : vector<288x1024xbf16> to vector<288x1024xf32>
    %sub3A_212 = arith.subf %mul3A_209, %convert_element_type3A_211 : vector<288x1024xf32>
    %convert_element_type3A_213 = arith.truncf %sub3A_212 : vector<288x1024xf32> to vector<288x1024xbf16>
    %get3A_214 = arith.constant 0 : index
    %get3A_215 = arith.constant 0 : index
    %get3A_216 = vector.load %arg4[%get3A_214, %get3A_215] : memref<1024x8xf32, #tpu.memory_space<vmem>>, vector<1024x8xf32>
    %dot_general3A_217 = arith.constant dense<0.000000e+00> : vector<288x8xf32>
    %dot_general3A_218 = tpu.matmul %convert_element_type3A_210, %get3A_216, %dot_general3A_217 {dimension_numbers = #tpu.dot_dimension_numbers<[1], [0], [0], [1], [0, 0, 1, 1], [], []>, transpose_lhs_hint = false} : vector<288x1024xbf16>, vector<1024x8xf32>, vector<288x8xf32> -> vector<288x8xf32>
    %get3A_219 = arith.constant 0 : index
    %get3A_220 = arith.constant 0 : index
    %get3A_221 = vector.load %arg4[%get3A_219, %get3A_220] : memref<1024x8xf32, #tpu.memory_space<vmem>>, vector<1024x8xf32>
    %dot_general3A_222 = arith.constant dense<0.000000e+00> : vector<288x8xf32>
    %dot_general3A_223 = tpu.matmul %convert_element_type3A_213, %get3A_221, %dot_general3A_222 {dimension_numbers = #tpu.dot_dimension_numbers<[1], [0], [0], [1], [0, 0, 1, 1], [], []>, transpose_lhs_hint = false} : vector<288x1024xbf16>, vector<1024x8xf32>, vector<288x8xf32> -> vector<288x8xf32>
    %add3A_224 = arith.addf %dot_general3A_218, %dot_general3A_223 : vector<288x8xf32>
    %mul3A_225 = arith.constant 0.0883883461 : f32
    %mul3A_226 = vector.broadcast %mul3A_225 : f32 to vector<288x8xf32>
    %mul3A_227 = arith.mulf %add3A_224, %mul3A_226 : vector<288x8xf32>
    %mul3A_228 = arith.mulf %convert_element_type3A_39, %convert_element_type3A_54 : vector<288x1024xf32>
    %convert_element_type3A_229 = arith.truncf %mul3A_228 : vector<288x1024xf32> to vector<288x1024xbf16>
    %convert_element_type3A_230 = arith.extf %convert_element_type3A_229 : vector<288x1024xbf16> to vector<288x1024xf32>
    %sub3A_231 = arith.subf %mul3A_228, %convert_element_type3A_230 : vector<288x1024xf32>
    %convert_element_type3A_232 = arith.truncf %sub3A_231 : vector<288x1024xf32> to vector<288x1024xbf16>
    %get3A_233 = arith.constant 0 : index
    %get3A_234 = arith.constant 0 : index
    %get3A_235 = vector.load %arg4[%get3A_233, %get3A_234] : memref<1024x8xf32, #tpu.memory_space<vmem>>, vector<1024x8xf32>
    %dot_general3A_236 = arith.constant dense<0.000000e+00> : vector<288x8xf32>
    %dot_general3A_237 = tpu.matmul %convert_element_type3A_229, %get3A_235, %dot_general3A_236 {dimension_numbers = #tpu.dot_dimension_numbers<[1], [0], [0], [1], [0, 0, 1, 1], [], []>, transpose_lhs_hint = false} : vector<288x1024xbf16>, vector<1024x8xf32>, vector<288x8xf32> -> vector<288x8xf32>
    %get3A_238 = arith.constant 0 : index
    %get3A_239 = arith.constant 0 : index
    %get3A_240 = vector.load %arg4[%get3A_238, %get3A_239] : memref<1024x8xf32, #tpu.memory_space<vmem>>, vector<1024x8xf32>
    %dot_general3A_241 = arith.constant dense<0.000000e+00> : vector<288x8xf32>
    %dot_general3A_242 = tpu.matmul %convert_element_type3A_232, %get3A_240, %dot_general3A_241 {dimension_numbers = #tpu.dot_dimension_numbers<[1], [0], [0], [1], [0, 0, 1, 1], [], []>, transpose_lhs_hint = false} : vector<288x1024xbf16>, vector<1024x8xf32>, vector<288x8xf32> -> vector<288x8xf32>
    %add3A_243 = arith.addf %dot_general3A_237, %dot_general3A_242 : vector<288x8xf32>
    %mul3A_244 = arith.constant 0.0883883461 : f32
    %mul3A_245 = vector.broadcast %mul3A_244 : f32 to vector<288x8xf32>
    %mul3A_246 = arith.mulf %add3A_243, %mul3A_245 : vector<288x8xf32>
    %mul3A_247 = arith.mulf %convert_element_type3A_39, %convert_element_type3A_57 : vector<288x1024xf32>
    %convert_element_type3A_248 = arith.truncf %mul3A_247 : vector<288x1024xf32> to vector<288x1024xbf16>
    %convert_element_type3A_249 = arith.extf %convert_element_type3A_248 : vector<288x1024xbf16> to vector<288x1024xf32>
    %sub3A_250 = arith.subf %mul3A_247, %convert_element_type3A_249 : vector<288x1024xf32>
    %convert_element_type3A_251 = arith.truncf %sub3A_250 : vector<288x1024xf32> to vector<288x1024xbf16>
    %get3A_252 = arith.constant 0 : index
    %get3A_253 = arith.constant 0 : index
    %get3A_254 = vector.load %arg4[%get3A_252, %get3A_253] : memref<1024x8xf32, #tpu.memory_space<vmem>>, vector<1024x8xf32>
    %dot_general3A_255 = arith.constant dense<0.000000e+00> : vector<288x8xf32>
    %dot_general3A_256 = tpu.matmul %convert_element_type3A_248, %get3A_254, %dot_general3A_255 {dimension_numbers = #tpu.dot_dimension_numbers<[1], [0], [0], [1], [0, 0, 1, 1], [], []>, transpose_lhs_hint = false} : vector<288x1024xbf16>, vector<1024x8xf32>, vector<288x8xf32> -> vector<288x8xf32>
    %get3A_257 = arith.constant 0 : index
    %get3A_258 = arith.constant 0 : index
    %get3A_259 = vector.load %arg4[%get3A_257, %get3A_258] : memref<1024x8xf32, #tpu.memory_space<vmem>>, vector<1024x8xf32>
    %dot_general3A_260 = arith.constant dense<0.000000e+00> : vector<288x8xf32>
    %dot_general3A_261 = tpu.matmul %convert_element_type3A_251, %get3A_259, %dot_general3A_260 {dimension_numbers = #tpu.dot_dimension_numbers<[1], [0], [0], [1], [0, 0, 1, 1], [], []>, transpose_lhs_hint = false} : vector<288x1024xbf16>, vector<1024x8xf32>, vector<288x8xf32> -> vector<288x8xf32>
    %add3A_262 = arith.addf %dot_general3A_256, %dot_general3A_261 : vector<288x8xf32>
    %mul3A_263 = arith.constant 0.0883883461 : f32
    %mul3A_264 = vector.broadcast %mul3A_263 : f32 to vector<288x8xf32>
    %mul3A_265 = arith.mulf %add3A_262, %mul3A_264 : vector<288x8xf32>
    %max3A_266 = arith.maximumf %mul3A_208, %mul3A_227 : vector<288x8xf32>
    %max3A_267 = arith.maximumf %mul3A_246, %mul3A_265 : vector<288x8xf32>
    %max3A_268 = arith.maximumf %max3A_266, %max3A_267 : vector<288x8xf32>
    %sub3A_269 = arith.subf %mul3A_208, %max3A_268 : vector<288x8xf32>
    %exp3A_270 = math.exp %sub3A_269 : vector<288x8xf32>
    %sub3A_271 = arith.subf %mul3A_227, %max3A_268 : vector<288x8xf32>
    %exp3A_272 = math.exp %sub3A_271 : vector<288x8xf32>
    %sub3A_273 = arith.subf %mul3A_246, %max3A_268 : vector<288x8xf32>
    %exp3A_274 = math.exp %sub3A_273 : vector<288x8xf32>
    %sub3A_275 = arith.subf %mul3A_265, %max3A_268 : vector<288x8xf32>
    %exp3A_276 = math.exp %sub3A_275 : vector<288x8xf32>
    %add3A_277 = arith.addf %exp3A_270, %exp3A_272 : vector<288x8xf32>
    %add3A_278 = arith.addf %add3A_277, %exp3A_274 : vector<288x8xf32>
    %add3A_279 = arith.addf %add3A_278, %exp3A_276 : vector<288x8xf32>
    %div3A_280 = arith.divf %exp3A_270, %add3A_279 : vector<288x8xf32>
    %convert_element_type3A_281 = arith.truncf %div3A_280 : vector<288x8xf32> to vector<288x8xbf16>
    %get3A_282 = arith.constant 0 : index
    %get3A_283 = arith.constant 0 : index
    %get3A_284 = vector.load %arg5[%get3A_282, %get3A_283] : memref<8x1024xbf16, #tpu.memory_space<vmem>>, vector<8x1024xbf16>
    %dot_general3A_285 = arith.constant dense<0.000000e+00> : vector<288x1024xf32>
    %dot_general3A_286 = tpu.matmul %convert_element_type3A_281, %get3A_284, %dot_general3A_285 {dimension_numbers = #tpu.dot_dimension_numbers<[1], [0], [0], [1], [0, 0, 1, 1], [], []>, transpose_lhs_hint = false} : vector<288x8xbf16>, vector<8x1024xbf16>, vector<288x1024xf32> -> vector<288x1024xf32>
    %mul3A_287 = arith.mulf %dot_general3A_286, %convert_element_type3A_60 : vector<288x1024xf32>
    %div3A_288 = arith.divf %exp3A_272, %add3A_279 : vector<288x8xf32>
    %convert_element_type3A_289 = arith.truncf %div3A_288 : vector<288x8xf32> to vector<288x8xbf16>
    %get3A_290 = arith.constant 0 : index
    %get3A_291 = arith.constant 0 : index
    %get3A_292 = vector.load %arg5[%get3A_290, %get3A_291] : memref<8x1024xbf16, #tpu.memory_space<vmem>>, vector<8x1024xbf16>
    %dot_general3A_293 = arith.constant dense<0.000000e+00> : vector<288x1024xf32>
    %dot_general3A_294 = tpu.matmul %convert_element_type3A_289, %get3A_292, %dot_general3A_293 {dimension_numbers = #tpu.dot_dimension_numbers<[1], [0], [0], [1], [0, 0, 1, 1], [], []>, transpose_lhs_hint = false} : vector<288x8xbf16>, vector<8x1024xbf16>, vector<288x1024xf32> -> vector<288x1024xf32>
    %mul3A_295 = arith.mulf %dot_general3A_294, %convert_element_type3A_63 : vector<288x1024xf32>
    %add3A_296 = arith.addf %mul3A_287, %mul3A_295 : vector<288x1024xf32>
    %div3A_297 = arith.divf %exp3A_274, %add3A_279 : vector<288x8xf32>
    %convert_element_type3A_298 = arith.truncf %div3A_297 : vector<288x8xf32> to vector<288x8xbf16>
    %get3A_299 = arith.constant 0 : index
    %get3A_300 = arith.constant 0 : index
    %get3A_301 = vector.load %arg5[%get3A_299, %get3A_300] : memref<8x1024xbf16, #tpu.memory_space<vmem>>, vector<8x1024xbf16>
    %dot_general3A_302 = arith.constant dense<0.000000e+00> : vector<288x1024xf32>
    %dot_general3A_303 = tpu.matmul %convert_element_type3A_298, %get3A_301, %dot_general3A_302 {dimension_numbers = #tpu.dot_dimension_numbers<[1], [0], [0], [1], [0, 0, 1, 1], [], []>, transpose_lhs_hint = false} : vector<288x8xbf16>, vector<8x1024xbf16>, vector<288x1024xf32> -> vector<288x1024xf32>
    %mul3A_304 = arith.mulf %dot_general3A_303, %convert_element_type3A_66 : vector<288x1024xf32>
    %add3A_305 = arith.addf %add3A_296, %mul3A_304 : vector<288x1024xf32>
    %div3A_306 = arith.divf %exp3A_276, %add3A_279 : vector<288x8xf32>
    %convert_element_type3A_307 = arith.truncf %div3A_306 : vector<288x8xf32> to vector<288x8xbf16>
    %get3A_308 = arith.constant 0 : index
    %get3A_309 = arith.constant 0 : index
    %get3A_310 = vector.load %arg5[%get3A_308, %get3A_309] : memref<8x1024xbf16, #tpu.memory_space<vmem>>, vector<8x1024xbf16>
    %dot_general3A_311 = arith.constant dense<0.000000e+00> : vector<288x1024xf32>
    %dot_general3A_312 = tpu.matmul %convert_element_type3A_307, %get3A_310, %dot_general3A_311 {dimension_numbers = #tpu.dot_dimension_numbers<[1], [0], [0], [1], [0, 0, 1, 1], [], []>, transpose_lhs_hint = false} : vector<288x8xbf16>, vector<8x1024xbf16>, vector<288x1024xf32> -> vector<288x1024xf32>
    %mul3A_313 = arith.mulf %dot_general3A_312, %convert_element_type3A_69 : vector<288x1024xf32>
    %add3A_314 = arith.addf %add3A_305, %mul3A_313 : vector<288x1024xf32>
    %mul3A_315 = arith.mulf %convert_element_type3A_42, %convert_element_type3A_48 : vector<288x1024xf32>
    %convert_element_type3A_316 = arith.truncf %mul3A_315 : vector<288x1024xf32> to vector<288x1024xbf16>
    %convert_element_type3A_317 = arith.extf %convert_element_type3A_316 : vector<288x1024xbf16> to vector<288x1024xf32>
    %sub3A_318 = arith.subf %mul3A_315, %convert_element_type3A_317 : vector<288x1024xf32>
    %convert_element_type3A_319 = arith.truncf %sub3A_318 : vector<288x1024xf32> to vector<288x1024xbf16>
    %get3A_320 = arith.constant 0 : index
    %get3A_321 = arith.constant 0 : index
    %get3A_322 = vector.load %arg4[%get3A_320, %get3A_321] : memref<1024x8xf32, #tpu.memory_space<vmem>>, vector<1024x8xf32>
    %dot_general3A_323 = arith.constant dense<0.000000e+00> : vector<288x8xf32>
    %dot_general3A_324 = tpu.matmul %convert_element_type3A_316, %get3A_322, %dot_general3A_323 {dimension_numbers = #tpu.dot_dimension_numbers<[1], [0], [0], [1], [0, 0, 1, 1], [], []>, transpose_lhs_hint = false} : vector<288x1024xbf16>, vector<1024x8xf32>, vector<288x8xf32> -> vector<288x8xf32>
    %get3A_325 = arith.constant 0 : index
    %get3A_326 = arith.constant 0 : index
    %get3A_327 = vector.load %arg4[%get3A_325, %get3A_326] : memref<1024x8xf32, #tpu.memory_space<vmem>>, vector<1024x8xf32>
    %dot_general3A_328 = arith.constant dense<0.000000e+00> : vector<288x8xf32>
    %dot_general3A_329 = tpu.matmul %convert_element_type3A_319, %get3A_327, %dot_general3A_328 {dimension_numbers = #tpu.dot_dimension_numbers<[1], [0], [0], [1], [0, 0, 1, 1], [], []>, transpose_lhs_hint = false} : vector<288x1024xbf16>, vector<1024x8xf32>, vector<288x8xf32> -> vector<288x8xf32>
    %add3A_330 = arith.addf %dot_general3A_324, %dot_general3A_329 : vector<288x8xf32>
    %mul3A_331 = arith.constant 0.0883883461 : f32
    %mul3A_332 = vector.broadcast %mul3A_331 : f32 to vector<288x8xf32>
    %mul3A_333 = arith.mulf %add3A_330, %mul3A_332 : vector<288x8xf32>
    %mul3A_334 = arith.mulf %convert_element_type3A_42, %convert_element_type3A_51 : vector<288x1024xf32>
    %convert_element_type3A_335 = arith.truncf %mul3A_334 : vector<288x1024xf32> to vector<288x1024xbf16>
    %convert_element_type3A_336 = arith.extf %convert_element_type3A_335 : vector<288x1024xbf16> to vector<288x1024xf32>
    %sub3A_337 = arith.subf %mul3A_334, %convert_element_type3A_336 : vector<288x1024xf32>
    %convert_element_type3A_338 = arith.truncf %sub3A_337 : vector<288x1024xf32> to vector<288x1024xbf16>
    %get3A_339 = arith.constant 0 : index
    %get3A_340 = arith.constant 0 : index
    %get3A_341 = vector.load %arg4[%get3A_339, %get3A_340] : memref<1024x8xf32, #tpu.memory_space<vmem>>, vector<1024x8xf32>
    %dot_general3A_342 = arith.constant dense<0.000000e+00> : vector<288x8xf32>
    %dot_general3A_343 = tpu.matmul %convert_element_type3A_335, %get3A_341, %dot_general3A_342 {dimension_numbers = #tpu.dot_dimension_numbers<[1], [0], [0], [1], [0, 0, 1, 1], [], []>, transpose_lhs_hint = false} : vector<288x1024xbf16>, vector<1024x8xf32>, vector<288x8xf32> -> vector<288x8xf32>
    %get3A_344 = arith.constant 0 : index
    %get3A_345 = arith.constant 0 : index
    %get3A_346 = vector.load %arg4[%get3A_344, %get3A_345] : memref<1024x8xf32, #tpu.memory_space<vmem>>, vector<1024x8xf32>
    %dot_general3A_347 = arith.constant dense<0.000000e+00> : vector<288x8xf32>
    %dot_general3A_348 = tpu.matmul %convert_element_type3A_338, %get3A_346, %dot_general3A_347 {dimension_numbers = #tpu.dot_dimension_numbers<[1], [0], [0], [1], [0, 0, 1, 1], [], []>, transpose_lhs_hint = false} : vector<288x1024xbf16>, vector<1024x8xf32>, vector<288x8xf32> -> vector<288x8xf32>
    %add3A_349 = arith.addf %dot_general3A_343, %dot_general3A_348 : vector<288x8xf32>
    %mul3A_350 = arith.constant 0.0883883461 : f32
    %mul3A_351 = vector.broadcast %mul3A_350 : f32 to vector<288x8xf32>
    %mul3A_352 = arith.mulf %add3A_349, %mul3A_351 : vector<288x8xf32>
    %mul3A_353 = arith.mulf %convert_element_type3A_42, %convert_element_type3A_54 : vector<288x1024xf32>
    %convert_element_type3A_354 = arith.truncf %mul3A_353 : vector<288x1024xf32> to vector<288x1024xbf16>
    %convert_element_type3A_355 = arith.extf %convert_element_type3A_354 : vector<288x1024xbf16> to vector<288x1024xf32>
    %sub3A_356 = arith.subf %mul3A_353, %convert_element_type3A_355 : vector<288x1024xf32>
    %convert_element_type3A_357 = arith.truncf %sub3A_356 : vector<288x1024xf32> to vector<288x1024xbf16>
    %get3A_358 = arith.constant 0 : index
    %get3A_359 = arith.constant 0 : index
    %get3A_360 = vector.load %arg4[%get3A_358, %get3A_359] : memref<1024x8xf32, #tpu.memory_space<vmem>>, vector<1024x8xf32>
    %dot_general3A_361 = arith.constant dense<0.000000e+00> : vector<288x8xf32>
    %dot_general3A_362 = tpu.matmul %convert_element_type3A_354, %get3A_360, %dot_general3A_361 {dimension_numbers = #tpu.dot_dimension_numbers<[1], [0], [0], [1], [0, 0, 1, 1], [], []>, transpose_lhs_hint = false} : vector<288x1024xbf16>, vector<1024x8xf32>, vector<288x8xf32> -> vector<288x8xf32>
    %get3A_363 = arith.constant 0 : index
    %get3A_364 = arith.constant 0 : index
    %get3A_365 = vector.load %arg4[%get3A_363, %get3A_364] : memref<1024x8xf32, #tpu.memory_space<vmem>>, vector<1024x8xf32>
    %dot_general3A_366 = arith.constant dense<0.000000e+00> : vector<288x8xf32>
    %dot_general3A_367 = tpu.matmul %convert_element_type3A_357, %get3A_365, %dot_general3A_366 {dimension_numbers = #tpu.dot_dimension_numbers<[1], [0], [0], [1], [0, 0, 1, 1], [], []>, transpose_lhs_hint = false} : vector<288x1024xbf16>, vector<1024x8xf32>, vector<288x8xf32> -> vector<288x8xf32>
    %add3A_368 = arith.addf %dot_general3A_362, %dot_general3A_367 : vector<288x8xf32>
    %mul3A_369 = arith.constant 0.0883883461 : f32
    %mul3A_370 = vector.broadcast %mul3A_369 : f32 to vector<288x8xf32>
    %mul3A_371 = arith.mulf %add3A_368, %mul3A_370 : vector<288x8xf32>
    %mul3A_372 = arith.mulf %convert_element_type3A_42, %convert_element_type3A_57 : vector<288x1024xf32>
    %convert_element_type3A_373 = arith.truncf %mul3A_372 : vector<288x1024xf32> to vector<288x1024xbf16>
    %convert_element_type3A_374 = arith.extf %convert_element_type3A_373 : vector<288x1024xbf16> to vector<288x1024xf32>
    %sub3A_375 = arith.subf %mul3A_372, %convert_element_type3A_374 : vector<288x1024xf32>
    %convert_element_type3A_376 = arith.truncf %sub3A_375 : vector<288x1024xf32> to vector<288x1024xbf16>
    %get3A_377 = arith.constant 0 : index
    %get3A_378 = arith.constant 0 : index
    %get3A_379 = vector.load %arg4[%get3A_377, %get3A_378] : memref<1024x8xf32, #tpu.memory_space<vmem>>, vector<1024x8xf32>
    %dot_general3A_380 = arith.constant dense<0.000000e+00> : vector<288x8xf32>
    %dot_general3A_381 = tpu.matmul %convert_element_type3A_373, %get3A_379, %dot_general3A_380 {dimension_numbers = #tpu.dot_dimension_numbers<[1], [0], [0], [1], [0, 0, 1, 1], [], []>, transpose_lhs_hint = false} : vector<288x1024xbf16>, vector<1024x8xf32>, vector<288x8xf32> -> vector<288x8xf32>
    %get3A_382 = arith.constant 0 : index
    %get3A_383 = arith.constant 0 : index
    %get3A_384 = vector.load %arg4[%get3A_382, %get3A_383] : memref<1024x8xf32, #tpu.memory_space<vmem>>, vector<1024x8xf32>
    %dot_general3A_385 = arith.constant dense<0.000000e+00> : vector<288x8xf32>
    %dot_general3A_386 = tpu.matmul %convert_element_type3A_376, %get3A_384, %dot_general3A_385 {dimension_numbers = #tpu.dot_dimension_numbers<[1], [0], [0], [1], [0, 0, 1, 1], [], []>, transpose_lhs_hint = false} : vector<288x1024xbf16>, vector<1024x8xf32>, vector<288x8xf32> -> vector<288x8xf32>
    %add3A_387 = arith.addf %dot_general3A_381, %dot_general3A_386 : vector<288x8xf32>
    %mul3A_388 = arith.constant 0.0883883461 : f32
    %mul3A_389 = vector.broadcast %mul3A_388 : f32 to vector<288x8xf32>
    %mul3A_390 = arith.mulf %add3A_387, %mul3A_389 : vector<288x8xf32>
    %max3A_391 = arith.maximumf %mul3A_333, %mul3A_352 : vector<288x8xf32>
    %max3A_392 = arith.maximumf %mul3A_371, %mul3A_390 : vector<288x8xf32>
    %max3A_393 = arith.maximumf %max3A_391, %max3A_392 : vector<288x8xf32>
    %sub3A_394 = arith.subf %mul3A_333, %max3A_393 : vector<288x8xf32>
    %exp3A_395 = math.exp %sub3A_394 : vector<288x8xf32>
    %sub3A_396 = arith.subf %mul3A_352, %max3A_393 : vector<288x8xf32>
    %exp3A_397 = math.exp %sub3A_396 : vector<288x8xf32>
    %sub3A_398 = arith.subf %mul3A_371, %max3A_393 : vector<288x8xf32>
    %exp3A_399 = math.exp %sub3A_398 : vector<288x8xf32>
    %sub3A_400 = arith.subf %mul3A_390, %max3A_393 : vector<288x8xf32>
    %exp3A_401 = math.exp %sub3A_400 : vector<288x8xf32>
    %add3A_402 = arith.addf %exp3A_395, %exp3A_397 : vector<288x8xf32>
    %add3A_403 = arith.addf %add3A_402, %exp3A_399 : vector<288x8xf32>
    %add3A_404 = arith.addf %add3A_403, %exp3A_401 : vector<288x8xf32>
    %div3A_405 = arith.divf %exp3A_395, %add3A_404 : vector<288x8xf32>
    %convert_element_type3A_406 = arith.truncf %div3A_405 : vector<288x8xf32> to vector<288x8xbf16>
    %get3A_407 = arith.constant 0 : index
    %get3A_408 = arith.constant 0 : index
    %get3A_409 = vector.load %arg5[%get3A_407, %get3A_408] : memref<8x1024xbf16, #tpu.memory_space<vmem>>, vector<8x1024xbf16>
    %dot_general3A_410 = arith.constant dense<0.000000e+00> : vector<288x1024xf32>
    %dot_general3A_411 = tpu.matmul %convert_element_type3A_406, %get3A_409, %dot_general3A_410 {dimension_numbers = #tpu.dot_dimension_numbers<[1], [0], [0], [1], [0, 0, 1, 1], [], []>, transpose_lhs_hint = false} : vector<288x8xbf16>, vector<8x1024xbf16>, vector<288x1024xf32> -> vector<288x1024xf32>
    %mul3A_412 = arith.mulf %dot_general3A_411, %convert_element_type3A_60 : vector<288x1024xf32>
    %div3A_413 = arith.divf %exp3A_397, %add3A_404 : vector<288x8xf32>
    %convert_element_type3A_414 = arith.truncf %div3A_413 : vector<288x8xf32> to vector<288x8xbf16>
    %get3A_415 = arith.constant 0 : index
    %get3A_416 = arith.constant 0 : index
    %get3A_417 = vector.load %arg5[%get3A_415, %get3A_416] : memref<8x1024xbf16, #tpu.memory_space<vmem>>, vector<8x1024xbf16>
    %dot_general3A_418 = arith.constant dense<0.000000e+00> : vector<288x1024xf32>
    %dot_general3A_419 = tpu.matmul %convert_element_type3A_414, %get3A_417, %dot_general3A_418 {dimension_numbers = #tpu.dot_dimension_numbers<[1], [0], [0], [1], [0, 0, 1, 1], [], []>, transpose_lhs_hint = false} : vector<288x8xbf16>, vector<8x1024xbf16>, vector<288x1024xf32> -> vector<288x1024xf32>
    %mul3A_420 = arith.mulf %dot_general3A_419, %convert_element_type3A_63 : vector<288x1024xf32>
    %add3A_421 = arith.addf %mul3A_412, %mul3A_420 : vector<288x1024xf32>
    %div3A_422 = arith.divf %exp3A_399, %add3A_404 : vector<288x8xf32>
    %convert_element_type3A_423 = arith.truncf %div3A_422 : vector<288x8xf32> to vector<288x8xbf16>
    %get3A_424 = arith.constant 0 : index
    %get3A_425 = arith.constant 0 : index
    %get3A_426 = vector.load %arg5[%get3A_424, %get3A_425] : memref<8x1024xbf16, #tpu.memory_space<vmem>>, vector<8x1024xbf16>
    %dot_general3A_427 = arith.constant dense<0.000000e+00> : vector<288x1024xf32>
    %dot_general3A_428 = tpu.matmul %convert_element_type3A_423, %get3A_426, %dot_general3A_427 {dimension_numbers = #tpu.dot_dimension_numbers<[1], [0], [0], [1], [0, 0, 1, 1], [], []>, transpose_lhs_hint = false} : vector<288x8xbf16>, vector<8x1024xbf16>, vector<288x1024xf32> -> vector<288x1024xf32>
    %mul3A_429 = arith.mulf %dot_general3A_428, %convert_element_type3A_66 : vector<288x1024xf32>
    %add3A_430 = arith.addf %add3A_421, %mul3A_429 : vector<288x1024xf32>
    %div3A_431 = arith.divf %exp3A_401, %add3A_404 : vector<288x8xf32>
    %convert_element_type3A_432 = arith.truncf %div3A_431 : vector<288x8xf32> to vector<288x8xbf16>
    %get3A_433 = arith.constant 0 : index
    %get3A_434 = arith.constant 0 : index
    %get3A_435 = vector.load %arg5[%get3A_433, %get3A_434] : memref<8x1024xbf16, #tpu.memory_space<vmem>>, vector<8x1024xbf16>
    %dot_general3A_436 = arith.constant dense<0.000000e+00> : vector<288x1024xf32>
    %dot_general3A_437 = tpu.matmul %convert_element_type3A_432, %get3A_435, %dot_general3A_436 {dimension_numbers = #tpu.dot_dimension_numbers<[1], [0], [0], [1], [0, 0, 1, 1], [], []>, transpose_lhs_hint = false} : vector<288x8xbf16>, vector<8x1024xbf16>, vector<288x1024xf32> -> vector<288x1024xf32>
    %mul3A_438 = arith.mulf %dot_general3A_437, %convert_element_type3A_69 : vector<288x1024xf32>
    %add3A_439 = arith.addf %add3A_430, %mul3A_438 : vector<288x1024xf32>
    %mul3A_440 = arith.mulf %convert_element_type3A_45, %convert_element_type3A_48 : vector<288x1024xf32>
    %convert_element_type3A_441 = arith.truncf %mul3A_440 : vector<288x1024xf32> to vector<288x1024xbf16>
    %convert_element_type3A_442 = arith.extf %convert_element_type3A_441 : vector<288x1024xbf16> to vector<288x1024xf32>
    %sub3A_443 = arith.subf %mul3A_440, %convert_element_type3A_442 : vector<288x1024xf32>
    %convert_element_type3A_444 = arith.truncf %sub3A_443 : vector<288x1024xf32> to vector<288x1024xbf16>
    %get3A_445 = arith.constant 0 : index
    %get3A_446 = arith.constant 0 : index
    %get3A_447 = vector.load %arg4[%get3A_445, %get3A_446] : memref<1024x8xf32, #tpu.memory_space<vmem>>, vector<1024x8xf32>
    %dot_general3A_448 = arith.constant dense<0.000000e+00> : vector<288x8xf32>
    %dot_general3A_449 = tpu.matmul %convert_element_type3A_441, %get3A_447, %dot_general3A_448 {dimension_numbers = #tpu.dot_dimension_numbers<[1], [0], [0], [1], [0, 0, 1, 1], [], []>, transpose_lhs_hint = false} : vector<288x1024xbf16>, vector<1024x8xf32>, vector<288x8xf32> -> vector<288x8xf32>
    %get3A_450 = arith.constant 0 : index
    %get3A_451 = arith.constant 0 : index
    %get3A_452 = vector.load %arg4[%get3A_450, %get3A_451] : memref<1024x8xf32, #tpu.memory_space<vmem>>, vector<1024x8xf32>
    %dot_general3A_453 = arith.constant dense<0.000000e+00> : vector<288x8xf32>
    %dot_general3A_454 = tpu.matmul %convert_element_type3A_444, %get3A_452, %dot_general3A_453 {dimension_numbers = #tpu.dot_dimension_numbers<[1], [0], [0], [1], [0, 0, 1, 1], [], []>, transpose_lhs_hint = false} : vector<288x1024xbf16>, vector<1024x8xf32>, vector<288x8xf32> -> vector<288x8xf32>
    %add3A_455 = arith.addf %dot_general3A_449, %dot_general3A_454 : vector<288x8xf32>
    %mul3A_456 = arith.constant 0.0883883461 : f32
    %mul3A_457 = vector.broadcast %mul3A_456 : f32 to vector<288x8xf32>
    %mul3A_458 = arith.mulf %add3A_455, %mul3A_457 : vector<288x8xf32>
    %mul3A_459 = arith.mulf %convert_element_type3A_45, %convert_element_type3A_51 : vector<288x1024xf32>
    %convert_element_type3A_460 = arith.truncf %mul3A_459 : vector<288x1024xf32> to vector<288x1024xbf16>
    %convert_element_type3A_461 = arith.extf %convert_element_type3A_460 : vector<288x1024xbf16> to vector<288x1024xf32>
    %sub3A_462 = arith.subf %mul3A_459, %convert_element_type3A_461 : vector<288x1024xf32>
    %convert_element_type3A_463 = arith.truncf %sub3A_462 : vector<288x1024xf32> to vector<288x1024xbf16>
    %get3A_464 = arith.constant 0 : index
    %get3A_465 = arith.constant 0 : index
    %get3A_466 = vector.load %arg4[%get3A_464, %get3A_465] : memref<1024x8xf32, #tpu.memory_space<vmem>>, vector<1024x8xf32>
    %dot_general3A_467 = arith.constant dense<0.000000e+00> : vector<288x8xf32>
    %dot_general3A_468 = tpu.matmul %convert_element_type3A_460, %get3A_466, %dot_general3A_467 {dimension_numbers = #tpu.dot_dimension_numbers<[1], [0], [0], [1], [0, 0, 1, 1], [], []>, transpose_lhs_hint = false} : vector<288x1024xbf16>, vector<1024x8xf32>, vector<288x8xf32> -> vector<288x8xf32>
    %get3A_469 = arith.constant 0 : index
    %get3A_470 = arith.constant 0 : index
    %get3A_471 = vector.load %arg4[%get3A_469, %get3A_470] : memref<1024x8xf32, #tpu.memory_space<vmem>>, vector<1024x8xf32>
    %dot_general3A_472 = arith.constant dense<0.000000e+00> : vector<288x8xf32>
    %dot_general3A_473 = tpu.matmul %convert_element_type3A_463, %get3A_471, %dot_general3A_472 {dimension_numbers = #tpu.dot_dimension_numbers<[1], [0], [0], [1], [0, 0, 1, 1], [], []>, transpose_lhs_hint = false} : vector<288x1024xbf16>, vector<1024x8xf32>, vector<288x8xf32> -> vector<288x8xf32>
    %add3A_474 = arith.addf %dot_general3A_468, %dot_general3A_473 : vector<288x8xf32>
    %mul3A_475 = arith.constant 0.0883883461 : f32
    %mul3A_476 = vector.broadcast %mul3A_475 : f32 to vector<288x8xf32>
    %mul3A_477 = arith.mulf %add3A_474, %mul3A_476 : vector<288x8xf32>
    %mul3A_478 = arith.mulf %convert_element_type3A_45, %convert_element_type3A_54 : vector<288x1024xf32>
    %convert_element_type3A_479 = arith.truncf %mul3A_478 : vector<288x1024xf32> to vector<288x1024xbf16>
    %convert_element_type3A_480 = arith.extf %convert_element_type3A_479 : vector<288x1024xbf16> to vector<288x1024xf32>
    %sub3A_481 = arith.subf %mul3A_478, %convert_element_type3A_480 : vector<288x1024xf32>
    %convert_element_type3A_482 = arith.truncf %sub3A_481 : vector<288x1024xf32> to vector<288x1024xbf16>
    %get3A_483 = arith.constant 0 : index
    %get3A_484 = arith.constant 0 : index
    %get3A_485 = vector.load %arg4[%get3A_483, %get3A_484] : memref<1024x8xf32, #tpu.memory_space<vmem>>, vector<1024x8xf32>
    %dot_general3A_486 = arith.constant dense<0.000000e+00> : vector<288x8xf32>
    %dot_general3A_487 = tpu.matmul %convert_element_type3A_479, %get3A_485, %dot_general3A_486 {dimension_numbers = #tpu.dot_dimension_numbers<[1], [0], [0], [1], [0, 0, 1, 1], [], []>, transpose_lhs_hint = false} : vector<288x1024xbf16>, vector<1024x8xf32>, vector<288x8xf32> -> vector<288x8xf32>
    %get3A_488 = arith.constant 0 : index
    %get3A_489 = arith.constant 0 : index
    %get3A_490 = vector.load %arg4[%get3A_488, %get3A_489] : memref<1024x8xf32, #tpu.memory_space<vmem>>, vector<1024x8xf32>
    %dot_general3A_491 = arith.constant dense<0.000000e+00> : vector<288x8xf32>
    %dot_general3A_492 = tpu.matmul %convert_element_type3A_482, %get3A_490, %dot_general3A_491 {dimension_numbers = #tpu.dot_dimension_numbers<[1], [0], [0], [1], [0, 0, 1, 1], [], []>, transpose_lhs_hint = false} : vector<288x1024xbf16>, vector<1024x8xf32>, vector<288x8xf32> -> vector<288x8xf32>
    %add3A_493 = arith.addf %dot_general3A_487, %dot_general3A_492 : vector<288x8xf32>
    %mul3A_494 = arith.constant 0.0883883461 : f32
    %mul3A_495 = vector.broadcast %mul3A_494 : f32 to vector<288x8xf32>
    %mul3A_496 = arith.mulf %add3A_493, %mul3A_495 : vector<288x8xf32>
    %mul3A_497 = arith.mulf %convert_element_type3A_45, %convert_element_type3A_57 : vector<288x1024xf32>
    %convert_element_type3A_498 = arith.truncf %mul3A_497 : vector<288x1024xf32> to vector<288x1024xbf16>
    %convert_element_type3A_499 = arith.extf %convert_element_type3A_498 : vector<288x1024xbf16> to vector<288x1024xf32>
    %sub3A_500 = arith.subf %mul3A_497, %convert_element_type3A_499 : vector<288x1024xf32>
    %convert_element_type3A_501 = arith.truncf %sub3A_500 : vector<288x1024xf32> to vector<288x1024xbf16>
    %get3A_502 = arith.constant 0 : index
    %get3A_503 = arith.constant 0 : index
    %get3A_504 = vector.load %arg4[%get3A_502, %get3A_503] : memref<1024x8xf32, #tpu.memory_space<vmem>>, vector<1024x8xf32>
    %dot_general3A_505 = arith.constant dense<0.000000e+00> : vector<288x8xf32>
    %dot_general3A_506 = tpu.matmul %convert_element_type3A_498, %get3A_504, %dot_general3A_505 {dimension_numbers = #tpu.dot_dimension_numbers<[1], [0], [0], [1], [0, 0, 1, 1], [], []>, transpose_lhs_hint = false} : vector<288x1024xbf16>, vector<1024x8xf32>, vector<288x8xf32> -> vector<288x8xf32>
    %get3A_507 = arith.constant 0 : index
    %get3A_508 = arith.constant 0 : index
    %get3A_509 = vector.load %arg4[%get3A_507, %get3A_508] : memref<1024x8xf32, #tpu.memory_space<vmem>>, vector<1024x8xf32>
    %dot_general3A_510 = arith.constant dense<0.000000e+00> : vector<288x8xf32>
    %dot_general3A_511 = tpu.matmul %convert_element_type3A_501, %get3A_509, %dot_general3A_510 {dimension_numbers = #tpu.dot_dimension_numbers<[1], [0], [0], [1], [0, 0, 1, 1], [], []>, transpose_lhs_hint = false} : vector<288x1024xbf16>, vector<1024x8xf32>, vector<288x8xf32> -> vector<288x8xf32>
    %add3A_512 = arith.addf %dot_general3A_506, %dot_general3A_511 : vector<288x8xf32>
    %mul3A_513 = arith.constant 0.0883883461 : f32
    %mul3A_514 = vector.broadcast %mul3A_513 : f32 to vector<288x8xf32>
    %mul3A_515 = arith.mulf %add3A_512, %mul3A_514 : vector<288x8xf32>
    %max3A_516 = arith.maximumf %mul3A_458, %mul3A_477 : vector<288x8xf32>
    %max3A_517 = arith.maximumf %mul3A_496, %mul3A_515 : vector<288x8xf32>
    %max3A_518 = arith.maximumf %max3A_516, %max3A_517 : vector<288x8xf32>
    %sub3A_519 = arith.subf %mul3A_458, %max3A_518 : vector<288x8xf32>
    %exp3A_520 = math.exp %sub3A_519 : vector<288x8xf32>
    %sub3A_521 = arith.subf %mul3A_477, %max3A_518 : vector<288x8xf32>
    %exp3A_522 = math.exp %sub3A_521 : vector<288x8xf32>
    %sub3A_523 = arith.subf %mul3A_496, %max3A_518 : vector<288x8xf32>
    %exp3A_524 = math.exp %sub3A_523 : vector<288x8xf32>
    %sub3A_525 = arith.subf %mul3A_515, %max3A_518 : vector<288x8xf32>
    %exp3A_526 = math.exp %sub3A_525 : vector<288x8xf32>
    %add3A_527 = arith.addf %exp3A_520, %exp3A_522 : vector<288x8xf32>
    %add3A_528 = arith.addf %add3A_527, %exp3A_524 : vector<288x8xf32>
    %add3A_529 = arith.addf %add3A_528, %exp3A_526 : vector<288x8xf32>
    %div3A_530 = arith.divf %exp3A_520, %add3A_529 : vector<288x8xf32>
    %convert_element_type3A_531 = arith.truncf %div3A_530 : vector<288x8xf32> to vector<288x8xbf16>
    %get3A_532 = arith.constant 0 : index
    %get3A_533 = arith.constant 0 : index
    %get3A_534 = vector.load %arg5[%get3A_532, %get3A_533] : memref<8x1024xbf16, #tpu.memory_space<vmem>>, vector<8x1024xbf16>
    %dot_general3A_535 = arith.constant dense<0.000000e+00> : vector<288x1024xf32>
    %dot_general3A_536 = tpu.matmul %convert_element_type3A_531, %get3A_534, %dot_general3A_535 {dimension_numbers = #tpu.dot_dimension_numbers<[1], [0], [0], [1], [0, 0, 1, 1], [], []>, transpose_lhs_hint = false} : vector<288x8xbf16>, vector<8x1024xbf16>, vector<288x1024xf32> -> vector<288x1024xf32>
    %mul3A_537 = arith.mulf %dot_general3A_536, %convert_element_type3A_60 : vector<288x1024xf32>
    %div3A_538 = arith.divf %exp3A_522, %add3A_529 : vector<288x8xf32>
    %convert_element_type3A_539 = arith.truncf %div3A_538 : vector<288x8xf32> to vector<288x8xbf16>
    %get3A_540 = arith.constant 0 : index
    %get3A_541 = arith.constant 0 : index
    %get3A_542 = vector.load %arg5[%get3A_540, %get3A_541] : memref<8x1024xbf16, #tpu.memory_space<vmem>>, vector<8x1024xbf16>
    %dot_general3A_543 = arith.constant dense<0.000000e+00> : vector<288x1024xf32>
    %dot_general3A_544 = tpu.matmul %convert_element_type3A_539, %get3A_542, %dot_general3A_543 {dimension_numbers = #tpu.dot_dimension_numbers<[1], [0], [0], [1], [0, 0, 1, 1], [], []>, transpose_lhs_hint = false} : vector<288x8xbf16>, vector<8x1024xbf16>, vector<288x1024xf32> -> vector<288x1024xf32>
    %mul3A_545 = arith.mulf %dot_general3A_544, %convert_element_type3A_63 : vector<288x1024xf32>
    %add3A_546 = arith.addf %mul3A_537, %mul3A_545 : vector<288x1024xf32>
    %div3A_547 = arith.divf %exp3A_524, %add3A_529 : vector<288x8xf32>
    %convert_element_type3A_548 = arith.truncf %div3A_547 : vector<288x8xf32> to vector<288x8xbf16>
    %get3A_549 = arith.constant 0 : index
    %get3A_550 = arith.constant 0 : index
    %get3A_551 = vector.load %arg5[%get3A_549, %get3A_550] : memref<8x1024xbf16, #tpu.memory_space<vmem>>, vector<8x1024xbf16>
    %dot_general3A_552 = arith.constant dense<0.000000e+00> : vector<288x1024xf32>
    %dot_general3A_553 = tpu.matmul %convert_element_type3A_548, %get3A_551, %dot_general3A_552 {dimension_numbers = #tpu.dot_dimension_numbers<[1], [0], [0], [1], [0, 0, 1, 1], [], []>, transpose_lhs_hint = false} : vector<288x8xbf16>, vector<8x1024xbf16>, vector<288x1024xf32> -> vector<288x1024xf32>
    %mul3A_554 = arith.mulf %dot_general3A_553, %convert_element_type3A_66 : vector<288x1024xf32>
    %add3A_555 = arith.addf %add3A_546, %mul3A_554 : vector<288x1024xf32>
    %div3A_556 = arith.divf %exp3A_526, %add3A_529 : vector<288x8xf32>
    %convert_element_type3A_557 = arith.truncf %div3A_556 : vector<288x8xf32> to vector<288x8xbf16>
    %get3A_558 = arith.constant 0 : index
    %get3A_559 = arith.constant 0 : index
    %get3A_560 = vector.load %arg5[%get3A_558, %get3A_559] : memref<8x1024xbf16, #tpu.memory_space<vmem>>, vector<8x1024xbf16>
    %dot_general3A_561 = arith.constant dense<0.000000e+00> : vector<288x1024xf32>
    %dot_general3A_562 = tpu.matmul %convert_element_type3A_557, %get3A_560, %dot_general3A_561 {dimension_numbers = #tpu.dot_dimension_numbers<[1], [0], [0], [1], [0, 0, 1, 1], [], []>, transpose_lhs_hint = false} : vector<288x8xbf16>, vector<8x1024xbf16>, vector<288x1024xf32> -> vector<288x1024xf32>
    %mul3A_563 = arith.mulf %dot_general3A_562, %convert_element_type3A_69 : vector<288x1024xf32>
    %add3A_564 = arith.addf %add3A_555, %mul3A_563 : vector<288x1024xf32>
    %concatenate3A = tpu.concatenate %add3A_189, %add3A_314, %add3A_439, %add3A_564 in 0 : vector<288x1024xf32>, vector<288x1024xf32>, vector<288x1024xf32>, vector<288x1024xf32> -> vector<1152x1024xf32>
    %get3A_565 = arith.constant 0 : index
    %get3A_566 = arith.constant 0 : index
    %get3A_567 = vector.load %arg9[%get3A_565, %get3A_566] : memref<1024x1024xbf16, #tpu.memory_space<vmem>>, vector<1024x1024xbf16>
    %convert_element_type3A_568 = arith.truncf %concatenate3A : vector<1152x1024xf32> to vector<1152x1024xbf16>
    %dot_general3A_569 = arith.constant dense<0.000000e+00> : vector<1152x1024xf32>
    %dot_general3A_570 = tpu.matmul %convert_element_type3A_568, %get3A_567, %dot_general3A_569 {dimension_numbers = #tpu.dot_dimension_numbers<[1], [0], [0], [1], [0, 0, 1, 1], [], []>, transpose_lhs_hint = false} : vector<1152x1024xbf16>, vector<1024x1024xbf16>, vector<1152x1024xf32> -> vector<1152x1024xf32>
    %get3A_571 = arith.constant 0 : index
    %get3A_572 = arith.constant 0 : index
    %get3A_573 = vector.load %arg17[%get3A_571, %get3A_572] : memref<1x1024xf32, #tpu.memory_space<vmem>>, vector<1x1024xf32>
    %add3A_574 = vector.broadcast %get3A_573 : vector<1x1024xf32> to vector<1152x1024xf32>
    %add3A_575 = arith.addf %dot_general3A_570, %add3A_574 : vector<1152x1024xf32>
    %add3A_576 = arith.addf %reshape3A, %add3A_575 : vector<1152x1024xf32>
    %get3A_577 = arith.constant 0 : index
    %get3A_578 = arith.constant 0 : index
    %get3A_579 = vector.load %arg21[%get3A_577, %get3A_578] : memref<1x1024xf32, #tpu.memory_space<vmem>>, vector<1x1024xf32>
    %get3A_580 = arith.constant 0 : index
    %get3A_581 = arith.constant 0 : index
    %get3A_582 = vector.load %arg22[%get3A_580, %get3A_581] : memref<1x1024xf32, #tpu.memory_space<vmem>>, vector<1x1024xf32>
    %reduce_sum3A = arith.constant dense<0.000000e+00> : vector<1152xf32>
    %reduce_sum3A_583 = vector.multi_reduction <add>, %add3A_576, %reduce_sum3A [1] : vector<1152x1024xf32> to vector<1152xf32>
    %broadcast_in_dim3A = vector.shape_cast %reduce_sum3A_583 : vector<1152xf32> to vector<1152x1xf32>
    %div3A_584 = arith.constant 1.024000e+03 : f32
    %div3A_585 = vector.broadcast %div3A_584 : f32 to vector<1152x1xf32>
    %div3A_586 = arith.divf %broadcast_in_dim3A, %div3A_585 : vector<1152x1xf32>
    %sub3A_587 = vector.broadcast %div3A_586 : vector<1152x1xf32> to vector<1152x1024xf32>
    %sub3A_588 = arith.subf %add3A_576, %sub3A_587 : vector<1152x1024xf32>
    %integer_pow3A = arith.mulf %sub3A_588, %sub3A_588 : vector<1152x1024xf32>
    %reduce_sum3A_589 = arith.constant dense<0.000000e+00> : vector<1152xf32>
    %reduce_sum3A_590 = vector.multi_reduction <add>, %integer_pow3A, %reduce_sum3A_589 [1] : vector<1152x1024xf32> to vector<1152xf32>
    %broadcast_in_dim3A_591 = vector.shape_cast %reduce_sum3A_590 : vector<1152xf32> to vector<1152x1xf32>
    %div3A_592 = arith.constant 1.024000e+03 : f32
    %div3A_593 = vector.broadcast %div3A_592 : f32 to vector<1152x1xf32>
    %div3A_594 = arith.divf %broadcast_in_dim3A_591, %div3A_593 : vector<1152x1xf32>
    %sub3A_595 = vector.broadcast %div3A_586 : vector<1152x1xf32> to vector<1152x1024xf32>
    %sub3A_596 = arith.subf %add3A_576, %sub3A_595 : vector<1152x1024xf32>
    %add3A_597 = arith.constant 9.99999974E-6 : f32
    %add3A_598 = vector.broadcast %add3A_597 : f32 to vector<1152x1xf32>
    %add3A_599 = arith.addf %div3A_594, %add3A_598 : vector<1152x1xf32>
    %sqrt3A = math.sqrt %add3A_599 : vector<1152x1xf32>
    %div3A_600 = vector.broadcast %sqrt3A : vector<1152x1xf32> to vector<1152x1024xf32>
    %div3A_601 = arith.divf %sub3A_596, %div3A_600 : vector<1152x1024xf32>
    %mul3A_602 = vector.broadcast %get3A_579 : vector<1x1024xf32> to vector<1152x1024xf32>
    %mul3A_603 = arith.mulf %div3A_601, %mul3A_602 : vector<1152x1024xf32>
    %add3A_604 = vector.broadcast %get3A_582 : vector<1x1024xf32> to vector<1152x1024xf32>
    %add3A_605 = arith.addf %mul3A_603, %add3A_604 : vector<1152x1024xf32>
    %get3A_606 = arith.constant 0 : index
    %get3A_607 = arith.constant 0 : index
    %get3A_608 = vector.load %arg10[%get3A_606, %get3A_607] : memref<1024x1024xbf16, #tpu.memory_space<vmem>>, vector<1024x1024xbf16>
    %convert_element_type3A_609 = arith.truncf %add3A_605 : vector<1152x1024xf32> to vector<1152x1024xbf16>
    %dot_general3A_610 = arith.constant dense<0.000000e+00> : vector<1152x1024xf32>
    %dot_general3A_611 = tpu.matmul %convert_element_type3A_609, %get3A_608, %dot_general3A_610 {dimension_numbers = #tpu.dot_dimension_numbers<[1], [0], [0], [1], [0, 0, 1, 1], [], []>, transpose_lhs_hint = false} : vector<1152x1024xbf16>, vector<1024x1024xbf16>, vector<1152x1024xf32> -> vector<1152x1024xf32>
    %get3A_612 = arith.constant 0 : index
    %get3A_613 = arith.constant 0 : index
    %get3A_614 = vector.load %arg18[%get3A_612, %get3A_613] : memref<1x1024xf32, #tpu.memory_space<vmem>>, vector<1x1024xf32>
    %add3A_615 = vector.broadcast %get3A_614 : vector<1x1024xf32> to vector<1152x1024xf32>
    %add3A_616 = arith.addf %dot_general3A_611, %add3A_615 : vector<1152x1024xf32>
    %max3A_617 = arith.constant 0.000000e+00 : f32
    %max3A_618 = vector.broadcast %max3A_617 : f32 to vector<1152x1024xf32>
    %max3A_619 = arith.maximumf %add3A_616, %max3A_618 : vector<1152x1024xf32>
    %get3A_620 = arith.constant 0 : index
    %get3A_621 = arith.constant 0 : index
    %get3A_622 = vector.load %arg11[%get3A_620, %get3A_621] : memref<1024x1024xbf16, #tpu.memory_space<vmem>>, vector<1024x1024xbf16>
    %convert_element_type3A_623 = arith.truncf %max3A_619 : vector<1152x1024xf32> to vector<1152x1024xbf16>
    %dot_general3A_624 = arith.constant dense<0.000000e+00> : vector<1152x1024xf32>
    %dot_general3A_625 = tpu.matmul %convert_element_type3A_623, %get3A_622, %dot_general3A_624 {dimension_numbers = #tpu.dot_dimension_numbers<[1], [0], [0], [1], [0, 0, 1, 1], [], []>, transpose_lhs_hint = false} : vector<1152x1024xbf16>, vector<1024x1024xbf16>, vector<1152x1024xf32> -> vector<1152x1024xf32>
    %get3A_626 = arith.constant 0 : index
    %get3A_627 = arith.constant 0 : index
    %get3A_628 = vector.load %arg19[%get3A_626, %get3A_627] : memref<1x1024xf32, #tpu.memory_space<vmem>>, vector<1x1024xf32>
    %add3A_629 = vector.broadcast %get3A_628 : vector<1x1024xf32> to vector<1152x1024xf32>
    %add3A_630 = arith.addf %dot_general3A_625, %add3A_629 : vector<1152x1024xf32>
    %add3A_631 = arith.addf %add3A_605, %add3A_630 : vector<1152x1024xf32>
    %get3A_632 = arith.constant 0 : index
    %get3A_633 = arith.constant 0 : index
    %get3A_634 = vector.load %arg23[%get3A_632, %get3A_633] : memref<1x1024xf32, #tpu.memory_space<vmem>>, vector<1x1024xf32>
    %get3A_635 = arith.constant 0 : index
    %get3A_636 = arith.constant 0 : index
    %get3A_637 = vector.load %arg24[%get3A_635, %get3A_636] : memref<1x1024xf32, #tpu.memory_space<vmem>>, vector<1x1024xf32>
    %reduce_sum3A_638 = arith.constant dense<0.000000e+00> : vector<1152xf32>
    %reduce_sum3A_639 = vector.multi_reduction <add>, %add3A_631, %reduce_sum3A_638 [1] : vector<1152x1024xf32> to vector<1152xf32>
    %broadcast_in_dim3A_640 = vector.shape_cast %reduce_sum3A_639 : vector<1152xf32> to vector<1152x1xf32>
    %div3A_641 = arith.constant 1.024000e+03 : f32
    %div3A_642 = vector.broadcast %div3A_641 : f32 to vector<1152x1xf32>
    %div3A_643 = arith.divf %broadcast_in_dim3A_640, %div3A_642 : vector<1152x1xf32>
    %sub3A_644 = vector.broadcast %div3A_643 : vector<1152x1xf32> to vector<1152x1024xf32>
    %sub3A_645 = arith.subf %add3A_631, %sub3A_644 : vector<1152x1024xf32>
    %integer_pow3A_646 = arith.mulf %sub3A_645, %sub3A_645 : vector<1152x1024xf32>
    %reduce_sum3A_647 = arith.constant dense<0.000000e+00> : vector<1152xf32>
    %reduce_sum3A_648 = vector.multi_reduction <add>, %integer_pow3A_646, %reduce_sum3A_647 [1] : vector<1152x1024xf32> to vector<1152xf32>
    %broadcast_in_dim3A_649 = vector.shape_cast %reduce_sum3A_648 : vector<1152xf32> to vector<1152x1xf32>
    %div3A_650 = arith.constant 1.024000e+03 : f32
    %div3A_651 = vector.broadcast %div3A_650 : f32 to vector<1152x1xf32>
    %div3A_652 = arith.divf %broadcast_in_dim3A_649, %div3A_651 : vector<1152x1xf32>
    %sub3A_653 = vector.broadcast %div3A_643 : vector<1152x1xf32> to vector<1152x1024xf32>
    %sub3A_654 = arith.subf %add3A_631, %sub3A_653 : vector<1152x1024xf32>
    %add3A_655 = arith.constant 9.99999974E-6 : f32
    %add3A_656 = vector.broadcast %add3A_655 : f32 to vector<1152x1xf32>
    %add3A_657 = arith.addf %div3A_652, %add3A_656 : vector<1152x1xf32>
    %sqrt3A_658 = math.sqrt %add3A_657 : vector<1152x1xf32>
    %div3A_659 = vector.broadcast %sqrt3A_658 : vector<1152x1xf32> to vector<1152x1024xf32>
    %div3A_660 = arith.divf %sub3A_654, %div3A_659 : vector<1152x1024xf32>
    %mul3A_661 = vector.broadcast %get3A_634 : vector<1x1024xf32> to vector<1152x1024xf32>
    %mul3A_662 = arith.mulf %div3A_660, %mul3A_661 : vector<1152x1024xf32>
    %add3A_663 = vector.broadcast %get3A_637 : vector<1x1024xf32> to vector<1152x1024xf32>
    %add3A_664 = arith.addf %mul3A_662, %add3A_663 : vector<1152x1024xf32>
    %get3A_665 = arith.constant 0 : index
    %get3A_666 = arith.constant 0 : index
    %get3A_667 = vector.load %arg12[%get3A_665, %get3A_666] : memref<1024x1024xbf16, #tpu.memory_space<vmem>>, vector<1024x1024xbf16>
    %convert_element_type3A_668 = arith.truncf %add3A_664 : vector<1152x1024xf32> to vector<1152x1024xbf16>
    %dot_general3A_669 = arith.constant dense<0.000000e+00> : vector<1152x1024xf32>
    %dot_general3A_670 = tpu.matmul %convert_element_type3A_668, %get3A_667, %dot_general3A_669 {dimension_numbers = #tpu.dot_dimension_numbers<[1], [0], [0], [1], [0, 0, 1, 1], [], []>, transpose_lhs_hint = false} : vector<1152x1024xbf16>, vector<1024x1024xbf16>, vector<1152x1024xf32> -> vector<1152x1024xf32>
    %get3A_671 = arith.constant 0 : index
    %get3A_672 = arith.constant 0 : index
    %get3A_673 = vector.load %arg20[%get3A_671, %get3A_672] : memref<1x1024xf32, #tpu.memory_space<vmem>>, vector<1x1024xf32>
    %add3A_674 = vector.broadcast %get3A_673 : vector<1x1024xf32> to vector<1152x1024xf32>
    %add3A_675 = arith.addf %dot_general3A_670, %add3A_674 : vector<1152x1024xf32>
    %mul3A_676 = arith.constant 5.000000e-01 : f32
    %mul3A_677 = vector.broadcast %mul3A_676 : f32 to vector<1152x1024xf32>
    %mul3A_678 = arith.mulf %mul3A_677, %add3A_675 : vector<1152x1024xf32>
    %mul3A_679 = arith.constant 0.707106769 : f32
    %mul3A_680 = vector.broadcast %mul3A_679 : f32 to vector<1152x1024xf32>
    %mul3A_681 = arith.mulf %add3A_675, %mul3A_680 : vector<1152x1024xf32>
    %erf3A = math.erf %mul3A_681 : vector<1152x1024xf32>
    %add3A_682 = arith.constant 1.000000e+00 : f32
    %add3A_683 = vector.broadcast %add3A_682 : f32 to vector<1152x1024xf32>
    %add3A_684 = arith.addf %add3A_683, %erf3A : vector<1152x1024xf32>
    %mul3A_685 = arith.mulf %mul3A_678, %add3A_684 : vector<1152x1024xf32>
    %get3A_686 = arith.constant 0 : index
    %get3A_687 = arith.constant 0 : index
    %get3A_688 = vector.load %arg13[%get3A_686, %get3A_687] : memref<1024x4xbf16, #tpu.memory_space<vmem>>, vector<1024x4xbf16>
    %convert_element_type3A_689 = arith.truncf %mul3A_685 : vector<1152x1024xf32> to vector<1152x1024xbf16>
    %dot_general3A_690 = arith.constant dense<0.000000e+00> : vector<1152x4xf32>
    %dot_general3A_691 = tpu.matmul %convert_element_type3A_689, %get3A_688, %dot_general3A_690 {dimension_numbers = #tpu.dot_dimension_numbers<[1], [0], [0], [1], [0, 0, 1, 1], [], []>, transpose_lhs_hint = false} : vector<1152x1024xbf16>, vector<1024x4xbf16>, vector<1152x4xf32> -> vector<1152x4xf32>
    %mul3A_692 = arith.constant 576 : i32
    %mul3A_693 = arith.muli %arg0, %mul3A_692 : i32
    %mul3A_694 = arith.constant 288 : i32
    %mul3A_695 = arith.muli %arg1, %mul3A_694 : i32
    %add3A_696 = arith.addi %mul3A_693, %mul3A_695 : i32
    %get3A_697 = arith.index_cast %add3A_696 : i32 to index
    %get3A_698 = arith.constant 0 : index
    %get3A_699 = vector.load %arg3[%get3A_697, %get3A_698] : memref<2336x1xf32, #tpu.memory_space<vmem>>, vector<288x1xf32>
    %concatenate3A_700 = tpu.concatenate %get3A_699, %get3A_699, %get3A_699, %get3A_699 in 0 : vector<288x1xf32>, vector<288x1xf32>, vector<288x1xf32>, vector<288x1xf32> -> vector<1152x1xf32>
    %convert_element_type3A_701 = arith.truncf %concatenate3A_700 : vector<1152x1xf32> to vector<1152x1xbf16>
    %convert_element_type3A_702 = arith.extf %convert_element_type3A_701 : vector<1152x1xbf16> to vector<1152x1xf32>
    %convert_element_type3A_703 = arith.truncf %dot_general3A_691 : vector<1152x4xf32> to vector<1152x4xbf16>
    %convert_element_type3A_704 = arith.extf %convert_element_type3A_703 : vector<1152x4xbf16> to vector<1152x4xf32>
    %mul3A_705 = vector.broadcast %convert_element_type3A_702 : vector<1152x1xf32> to vector<1152x4xf32>
    %mul3A_706 = arith.mulf %mul3A_705, %convert_element_type3A_704 : vector<1152x4xf32>
    %reduce_sum3A_707 = arith.constant dense<0.000000e+00> : vector<4xf32>
    %reduce_sum3A_708 = vector.multi_reduction <add>, %mul3A_706, %reduce_sum3A_707 [0] : vector<1152x4xf32> to vector<4xf32>
    %broadcast_in_dim3A_709 = vector.shape_cast %reduce_sum3A_708 : vector<4xf32> to vector<1x4xf32>
    %eq3A = arith.constant 0 : i32
    %eq3A_710 = arith.cmpi eq, %arg0, %eq3A : i32
    %eq3A_711 = arith.constant 0 : i32
    %eq3A_712 = arith.cmpi eq, %arg1, %eq3A_711 : i32
    %and3A = arith.andi %eq3A_710, %eq3A_712 : i1
    %convert_element_type3A_713 = arith.extui %and3A : i1 to i32
    %cond3A = arith.constant 0 : i32
    %cond3A_714 = arith.cmpi ne, %convert_element_type3A_713, %cond3A : i32
    scf.if %cond3A_714 {
      %swap3A = arith.constant 0 : index
      %swap3A_719 = arith.constant 0 : index
      %swap3A_720 = vector.load %arg25[%swap3A, %swap3A_719] : memref<1x4xf32, #tpu.memory_space<vmem>>, vector<1x4xf32>
      tpu.vector_store %arg25[%swap3A, %swap3A_719], %broadcast_in_dim3A_709 {strides = array<i32>} : memref<1x4xf32, #tpu.memory_space<vmem>>, vector<1x4xf32>,
    } else {
    }
    %not3A = arith.constant true
    %not3A_715 = arith.xori %and3A, %not3A : i1
    %convert_element_type3A_716 = arith.extui %not3A_715 : i1 to i32
    %cond3A_717 = arith.constant 0 : i32
    %cond3A_718 = arith.cmpi ne, %convert_element_type3A_716, %cond3A_717 : i32
    scf.if %cond3A_718 {
      %get3A_719 = arith.constant 0 : index
      %get3A_720 = arith.constant 0 : index
      %get3A_721 = vector.load %arg25[%get3A_719, %get3A_720] : memref<1x4xf32, #tpu.memory_space<vmem>>, vector<1x4xf32>
      %add3A_722 = arith.addf %get3A_721, %broadcast_in_dim3A_709 : vector<1x4xf32>
      %swap3A = arith.constant 0 : index
      %swap3A_723 = arith.constant 0 : index
      %swap3A_724 = vector.load %arg25[%swap3A, %swap3A_723] : memref<1x4xf32, #tpu.memory_space<vmem>>, vector<1x4xf32>
      tpu.vector_store %arg25[%swap3A, %swap3A_723], %add3A_722 {strides = array<i32>} : memref<1x4xf32, #tpu.memory_space<vmem>>, vector<1x4xf32>,
    } else {
    }
    return
  }
  func.func @transform_0(%arg0: i32, %arg1: i32) -> (i32, i32, i32, i32) {
    %c0_i32 = arith.constant 0 : i32
    %c0_i32_0 = arith.constant 0 : i32
    %c0_i32_1 = arith.constant 0 : i32
    return %arg0, %c0_i32, %arg1, %c0_i32_0 : i32, i32, i32, i32
  }
  func.func @transform_1(%arg0: i32, %arg1: i32) -> (i32, i32) {
    %c0_i32 = arith.constant 0 : i32
    %c0_i32_0 = arith.constant 0 : i32
    %c0_i32_1 = arith.constant 0 : i32
    return %c0_i32, %c0_i32_0 : i32, i32
  }
  func.func @transform_2(%arg0: i32, %arg1: i32) -> (i32, i32) {
    %c0_i32 = arith.constant 0 : i32
    %c0_i32_0 = arith.constant 0 : i32
    %c0_i32_1 = arith.constant 0 : i32
    return %c0_i32, %c0_i32_0 : i32, i32
  }
  func.func @transform_3(%arg0: i32, %arg1: i32) -> (i32, i32) {
    %c0_i32 = arith.constant 0 : i32
    %c0_i32_0 = arith.constant 0 : i32
    %c0_i32_1 = arith.constant 0 : i32
    return %c0_i32, %c0_i32_0 : i32, i32
  }
  func.func @transform_4(%arg0: i32, %arg1: i32) -> (i32, i32) {
    %c0_i32 = arith.constant 0 : i32
    %c0_i32_0 = arith.constant 0 : i32
    %c0_i32_1 = arith.constant 0 : i32
    return %c0_i32, %c0_i32_0 : i32, i32
  }
  func.func @transform_5(%arg0: i32, %arg1: i32) -> (i32, i32) {
    %c0_i32 = arith.constant 0 : i32
    %c0_i32_0 = arith.constant 0 : i32
    %c0_i32_1 = arith.constant 0 : i32
    return %c0_i32, %c0_i32_0 : i32, i32
  }
  func.func @transform_6(%arg0: i32, %arg1: i32) -> (i32, i32) {
    %c0_i32 = arith.constant 0 : i32
    %c0_i32_0 = arith.constant 0 : i32
    %c0_i32_1 = arith.constant 0 : i32
    return %c0_i32, %c0_i32_0 : i32, i32
  }
  func.func @transform_7(%arg0: i32, %arg1: i32) -> (i32, i32) {
    %c0_i32 = arith.constant 0 : i32
    %c0_i32_0 = arith.constant 0 : i32
    %c0_i32_1 = arith.constant 0 : i32
    return %c0_i32, %c0_i32_0 : i32, i32
  }
  func.func @transform_8(%arg0: i32, %arg1: i32) -> (i32, i32) {
    %c0_i32 = arith.constant 0 : i32
    %c0_i32_0 = arith.constant 0 : i32
    %c0_i32_1 = arith.constant 0 : i32
    return %c0_i32, %c0_i32_0 : i32, i32
  }
  func.func @transform_9(%arg0: i32, %arg1: i32) -> (i32, i32) {
    %c0_i32 = arith.constant 0 : i32
    %c0_i32_0 = arith.constant 0 : i32
    %c0_i32_1 = arith.constant 0 : i32
    return %c0_i32, %c0_i32_0 : i32, i32
  }
  func.func @transform_10(%arg0: i32, %arg1: i32) -> (i32, i32) {
    %c0_i32 = arith.constant 0 : i32
    %c0_i32_0 = arith.constant 0 : i32
    %c0_i32_1 = arith.constant 0 : i32
    return %c0_i32, %c0_i32_0 : i32, i32
  }
  func.func @transform_11(%arg0: i32, %arg1: i32) -> (i32, i32) {
    %c0_i32 = arith.constant 0 : i32
    %c0_i32_0 = arith.constant 0 : i32
    %c0_i32_1 = arith.constant 0 : i32
    return %c0_i32, %c0_i32_0 : i32, i32
  }
  func.func @transform_12(%arg0: i32, %arg1: i32) -> (i32, i32) {
    %c0_i32 = arith.constant 0 : i32
    %c0_i32_0 = arith.constant 0 : i32
    %c0_i32_1 = arith.constant 0 : i32
    return %c0_i32, %c0_i32_0 : i32, i32
  }
  func.func @transform_13(%arg0: i32, %arg1: i32) -> (i32, i32) {
    %c0_i32 = arith.constant 0 : i32
    %c0_i32_0 = arith.constant 0 : i32
    %c0_i32_1 = arith.constant 0 : i32
    return %c0_i32, %c0_i32_0 : i32, i32
  }
  func.func @transform_14(%arg0: i32, %arg1: i32) -> (i32, i32) {
    %c0_i32 = arith.constant 0 : i32
    %c0_i32_0 = arith.constant 0 : i32
    %c0_i32_1 = arith.constant 0 : i32
    return %c0_i32, %c0_i32_0 : i32, i32
  }
  func.func @transform_15(%arg0: i32, %arg1: i32) -> (i32, i32) {
    %c0_i32 = arith.constant 0 : i32
    %c0_i32_0 = arith.constant 0 : i32
    %c0_i32_1 = arith.constant 0 : i32
    return %c0_i32, %c0_i32_0 : i32, i32
  }
  func.func @transform_16(%arg0: i32, %arg1: i32) -> (i32, i32) {
    %c0_i32 = arith.constant 0 : i32
    %c0_i32_0 = arith.constant 0 : i32
    %c0_i32_1 = arith.constant 0 : i32
    return %c0_i32, %c0_i32_0 : i32, i32
  }
  func.func @transform_17(%arg0: i32, %arg1: i32) -> (i32, i32) {
    %c0_i32 = arith.constant 0 : i32
    %c0_i32_0 = arith.constant 0 : i32
    %c0_i32_1 = arith.constant 0 : i32
    return %c0_i32, %c0_i32_0 : i32, i32
  }
  func.func @transform_18(%arg0: i32, %arg1: i32) -> (i32, i32) {
    %c0_i32 = arith.constant 0 : i32
    %c0_i32_0 = arith.constant 0 : i32
    %c0_i32_1 = arith.constant 0 : i32
    return %c0_i32, %c0_i32_0 : i32, i32
  }
  func.func @transform_19(%arg0: i32, %arg1: i32) -> (i32, i32) {
    %c0_i32 = arith.constant 0 : i32
    %c0_i32_0 = arith.constant 0 : i32
    %c0_i32_1 = arith.constant 0 : i32
    return %c0_i32, %c0_i32_0 : i32, i32
  }
  func.func @transform_20(%arg0: i32, %arg1: i32) -> (i32, i32) {
    %c0_i32 = arith.constant 0 : i32
    %c0_i32_0 = arith.constant 0 : i32
    %c0_i32_1 = arith.constant 0 : i32
    return %c0_i32, %c0_i32_0 : i32, i32
  }
  func.func @transform_21(%arg0: i32, %arg1: i32) -> (i32, i32) {
    %c0_i32 = arith.constant 0 : i32
    %c0_i32_0 = arith.constant 0 : i32
    %c0_i32_1 = arith.constant 0 : i32
    return %c0_i32, %c0_i32_0 : i32, i32
  }
  func.func @transform_22(%arg0: i32, %arg1: i32) -> (i32, i32) {
    %c0_i32 = arith.constant 0 : i32
    %c0_i32_0 = arith.constant 0 : i32
    %c0_i32_1 = arith.constant 0 : i32
    return %c0_i32, %c0_i32_0 : i32, i32
  }
  func.func @transform_23(%arg0: i32, %arg1: i32) -> (i32, i32) {
    %c0_i32 = arith.constant 0 : i32
    %c0_i32_0 = arith.constant 0 : i32
    %c0_i32_1 = arith.constant 0 : i32
    return %c0_i32, %c0_i32_0 : i32, i32
  }
}

module attributes {stable_mosaic.version = 14 : i64} {
  func.func @_final_kernel(%arg0: memref<1x4xf32, #tpu.memory_space<vmem>>, %arg1: memref<1x4xf32, #tpu.memory_space<vmem>>, %arg2: memref<1x4xf32, #tpu.memory_space<vmem>>, %arg3: memref<1x4xf32, #tpu.memory_space<vmem>>, %arg4: memref<1x4xf32, #tpu.memory_space<vmem>>, %arg5: memref<2336x1xf32, #tpu.memory_space<vmem>>, %arg6: memref<1x4xf32, #tpu.memory_space<vmem>>, %arg7: memref<1x1xi32, #tpu.memory_space<vmem>>) attributes {dimension_semantics = [], scalar_prefetch = 0 : i64, scratch_operands = 0 : i64, tpu.core_type = #tpu.core_type<tc>} {
    %get3A = arith.constant 0 : index
    %get3A_0 = arith.constant 0 : index
    %get3A_1 = vector.load %arg5[%get3A, %get3A_0] : memref<2336x1xf32, #tpu.memory_space<vmem>>, vector<2336x1xf32>
    %reduce_sum3A = vector.shape_cast %get3A_1 : vector<2336x1xf32> to vector<1x2336x1xf32>
    %reduce_sum3A_2 = arith.constant dense<0.000000e+00> : vector<1xf32>
    %reduce_sum3A_3 = vector.multi_reduction <add>, %reduce_sum3A, %reduce_sum3A_2 [1, 2] : vector<1x2336x1xf32> to vector<1xf32>
    %reduce_sum3A_4 = vector.shape_cast %reduce_sum3A_3 : vector<1xf32> to vector<1x1x1xf32>
    %reduce_sum3A_5 = vector.extract %reduce_sum3A_4[0, 0, 0] : f32 from vector<1x1x1xf32>
    %get3A_6 = arith.constant 0 : index
    %get3A_7 = arith.constant 0 : index
    %get3A_8 = vector.load %arg0[%get3A_6, %get3A_7] : memref<1x4xf32, #tpu.memory_space<vmem>>, vector<1x4xf32>
    %mul3A = arith.constant 2.500000e-01 : f32
    %mul3A_9 = vector.broadcast %mul3A : f32 to vector<1x4xf32>
    %mul3A_10 = arith.mulf %mul3A_9, %get3A_8 : vector<1x4xf32>
    %get3A_11 = arith.constant 0 : index
    %get3A_12 = arith.constant 0 : index
    %get3A_13 = vector.load %arg1[%get3A_11, %get3A_12] : memref<1x4xf32, #tpu.memory_space<vmem>>, vector<1x4xf32>
    %add3A = arith.addf %mul3A_10, %get3A_13 : vector<1x4xf32>
    %get3A_14 = arith.constant 0 : index
    %get3A_15 = arith.constant 0 : index
    %get3A_16 = vector.load %arg2[%get3A_14, %get3A_15] : memref<1x4xf32, #tpu.memory_space<vmem>>, vector<1x4xf32>
    %mul3A_17 = vector.broadcast %reduce_sum3A_5 : f32 to vector<1x4xf32>
    %mul3A_18 = arith.mulf %mul3A_17, %get3A_16 : vector<1x4xf32>
    %add3A_19 = arith.addf %add3A, %mul3A_18 : vector<1x4xf32>
    %get3A_20 = arith.constant 0 : index
    %get3A_21 = arith.constant 0 : index
    %get3A_22 = vector.load %arg3[%get3A_20, %get3A_21] : memref<1x4xf32, #tpu.memory_space<vmem>>, vector<1x4xf32>
    %get3A_23 = arith.constant 0 : index
    %get3A_24 = arith.constant 0 : index
    %get3A_25 = vector.load %arg4[%get3A_23, %get3A_24] : memref<1x4xf32, #tpu.memory_space<vmem>>, vector<1x4xf32>
    %reduce_sum3A_26 = arith.constant dense<0.000000e+00> : vector<1xf32>
    %reduce_sum3A_27 = vector.multi_reduction <add>, %add3A_19, %reduce_sum3A_26 [1] : vector<1x4xf32> to vector<1xf32>
    %broadcast_in_dim3A = vector.shape_cast %reduce_sum3A_27 : vector<1xf32> to vector<1x1xf32>
    %div3A = arith.constant 4.000000e+00 : f32
    %div3A_28 = vector.broadcast %div3A : f32 to vector<1x1xf32>
    %div3A_29 = arith.divf %broadcast_in_dim3A, %div3A_28 : vector<1x1xf32>
    %sub3A = vector.broadcast %div3A_29 : vector<1x1xf32> to vector<1x4xf32>
    %sub3A_30 = arith.subf %add3A_19, %sub3A : vector<1x4xf32>
    %integer_pow3A = arith.mulf %sub3A_30, %sub3A_30 : vector<1x4xf32>
    %reduce_sum3A_31 = arith.constant dense<0.000000e+00> : vector<1xf32>
    %reduce_sum3A_32 = vector.multi_reduction <add>, %integer_pow3A, %reduce_sum3A_31 [1] : vector<1x4xf32> to vector<1xf32>
    %broadcast_in_dim3A_33 = vector.shape_cast %reduce_sum3A_32 : vector<1xf32> to vector<1x1xf32>
    %div3A_34 = arith.constant 4.000000e+00 : f32
    %div3A_35 = vector.broadcast %div3A_34 : f32 to vector<1x1xf32>
    %div3A_36 = arith.divf %broadcast_in_dim3A_33, %div3A_35 : vector<1x1xf32>
    %sub3A_37 = vector.broadcast %div3A_29 : vector<1x1xf32> to vector<1x4xf32>
    %sub3A_38 = arith.subf %add3A_19, %sub3A_37 : vector<1x4xf32>
    %add3A_39 = arith.constant 9.99999974E-6 : f32
    %add3A_40 = vector.broadcast %add3A_39 : f32 to vector<1x1xf32>
    %add3A_41 = arith.addf %div3A_36, %add3A_40 : vector<1x1xf32>
    %sqrt3A = math.sqrt %add3A_41 : vector<1x1xf32>
    %div3A_42 = vector.broadcast %sqrt3A : vector<1x1xf32> to vector<1x4xf32>
    %div3A_43 = arith.divf %sub3A_38, %div3A_42 : vector<1x4xf32>
    %mul3A_44 = arith.mulf %div3A_43, %get3A_22 : vector<1x4xf32>
    %add3A_45 = arith.addf %mul3A_44, %get3A_25 : vector<1x4xf32>
    %swap3A = arith.constant 0 : index
    %swap3A_46 = arith.constant 0 : index
    %swap3A_47 = vector.load %arg6[%swap3A, %swap3A_46] : memref<1x4xf32, #tpu.memory_space<vmem>>, vector<1x4xf32>
    tpu.vector_store %arg6[%swap3A, %swap3A_46], %add3A_45 {strides = array<i32>} : memref<1x4xf32, #tpu.memory_space<vmem>>, vector<1x4xf32>,
    %reduce_max3A = arith.constant dense<0xFF800000> : vector<1xf32>
    %reduce_max3A_48 = vector.multi_reduction <maximumf>, %add3A_45, %reduce_max3A [1] : vector<1x4xf32> to vector<1xf32>
    %broadcast_in_dim3A_49 = vector.shape_cast %reduce_max3A_48 : vector<1xf32> to vector<1x1xf32>
    %iota3A = tpu.iota {dimensions = array<i32: 1>} : vector<1x4xi32>
    %eq3A = vector.broadcast %broadcast_in_dim3A_49 : vector<1x1xf32> to vector<1x4xf32>
    %eq3A_50 = arith.cmpf oeq, %add3A_45, %eq3A : vector<1x4xf32>
    %jit3A = arith.constant 1000000 : i32
    %broadcast_in_dim3A_51 = vector.broadcast %jit3A : i32 to vector<1x4xi32>
    %select_n3A = arith.select %eq3A_50, %iota3A, %broadcast_in_dim3A_51 : vector<1x4xi1>, vector<1x4xi32>
    %reduce_min3A = arith.constant dense<2147483647> : vector<1xi32>
    %reduce_min3A_52 = vector.multi_reduction <minsi>, %select_n3A, %reduce_min3A [1] : vector<1x4xi32> to vector<1xi32>
    %broadcast_in_dim3A_53 = vector.shape_cast %reduce_min3A_52 : vector<1xi32> to vector<1x1xi32>
    %swap3A_54 = arith.constant 0 : index
    %swap3A_55 = arith.constant 0 : index
    %swap3A_56 = vector.load %arg7[%swap3A_54, %swap3A_55] : memref<1x1xi32, #tpu.memory_space<vmem>>, vector<1x1xi32>
    tpu.vector_store %arg7[%swap3A_54, %swap3A_55], %broadcast_in_dim3A_53 {strides = array<i32>} : memref<1x1xi32, #tpu.memory_space<vmem>>, vector<1x1xi32>,
    return
  }
}

</mosaic_0001>

<sc_bundles>
// kernel: kernel.6.cloned.1.call-start
scs
__scs_entry_jumppad:
0x0: {  	(pc) =	sbr.rel $0x88, $3  }
0x1: {  	(tag) =	ssettag $0x0;
	lr =	simm.s32 $0x1  }
0x2: {  	[smem:$0x3F8A] =	sst lr;
	_ =	strace $0xD0000000  }
0x3: {  	_ = 	snop  }
0x4: {  	_ = 	snop  }
0x5: {  	_ = 	snop  }
0x6: {  	_ = 	snop  }
0x7: {  	_ = 	snop  }
__scs_overlays_trampoline_lowered:
0x8: {  	[smem:$0x3F99] =	sst s0  }
0x9: {  	[smem:$0x3F9A] =	sst s1  }
0xa: {  	[smem:$0x3F9B] =	sst s2  }
0xb: {  	[smem:$0x3F9C] =	sst s3  }
0xc: {  	[smem:$0x3F9D] =	sst s4  }
0xd: {  	[smem:$0x3F9E] =	sst s5  }
0xe: {  	[smem:$0x3F9F] =	sst s6  }
0xf: {  	[smem:$0x3FA0] =	sst s7  }
0x10: {  	[smem:$0x3FA1] =	sst s8  }
0x11: {  	[smem:$0x3FA2] =	sst s9;
	s0 =	simm.s32 @!p0 $0x0  }
0x12: {  	s1 =	sld [smem:$0x3F88];
	s0 =	simm.s32 @p0 $0x1  }
0x13: {  	[smem:$0x3FA3] =	sst s0;
	s0 =	simm.s32 @!p1 $0x0  }
0x14: {  	s2 =	sld [smem:$0x3F87];
	s0 =	simm.s32 @p1 $0x1  }
0x15: {  	[smem:$0x3FA4] =	sst s0;
	s0 =	simm.s32 @!p2 $0x0  }
0x16: {  	s3 =	sld [smem:$0x3FDB];
	s0 =	simm.s32 @p2 $0x1  }
0x17: {  	s4 =	simm.s32 $0x1BF5;
	[smem:$0x3FA6] =	sst s0  }
0x18: {  	s0 =	sld [smem:$0x3F89];
	_ =	swait.ge [sflag:s4], $0x0  }
0x19: {  	s7 =	sld [smem:$0x3F8A]  }
0x1a: {  	s8 =	sadd.s32 $0xFFFFE003, lr  }
0x1b: {  	s9 =	sadd.s32 $0xFFFFFEF7, lr;
	s5 =	simm.s32 $0xFFFFFFFF;
	p2 =	slt.u32 s8, $0xFFFFF086  }
0x1c: {  	p1 =	slt.u32 s9, $0xF7A;
	s5 =	simm.s32 @!p2 $0x0  }
0x1d: {  	s5 =	simm.s32 @p1 $0x1;
	p0 =	seq.s32 s7, s2  }
0x1e: {  	s7 =	smul.u32 @!p0 $0xF7A, s2;
	p2 =	seq.s32 @!p0 s5, $0x0  }
0x1f: {  	s9 =	smul.u32 $0xF7A, s1;
	s8 =	simm.s32 @!p0 $0x1BF5;
	p2 =	por !p2, p0  }
0x20: {  	[sflag:s8] =	ssyncset.s32 @!p0 $0xFFFFF086;
	s6 =	sadd.s32 @!p0 s3, s7;
	s7 =	simm.s32 @!p0 $0x108  }
0x21: {  	s3 =	sadd.s32 s3, s9;
	s6 =	sadd.s32 @!p0 $0x88, s6;
	s7 =	simm.s32 @p2 $0x1082  }
0x22: {  	[simem:s7], [sflag:s8] =	dma.local @!p0 [hbm:s6], $0xF7A  }
0x23: {  	s9 =	sor.u32 $0xD0000000, s2;
	s6 =	simm.s32 $0x108;
	_ =	swait.ge @!p0 [sflag:s8], $0x0  }
0x24: {  	s3 =	sadd.s32 $0x88, s3;
	s6 =	simm.s32 @!p1 $0x1082;
	[sflag:s4] =	ssyncset.s32 $0xFFFFF086  }
0x25: {  	[simem:s6], [sflag:s4] =	dma.local [hbm:s3], $0xF7A  }
0x26: {  	[smem:$0x3F8A] =	sst s1;
	(tag) =	ssettag s2;
	_ =	strace s9  }
0x27: {  	s1 =	sld [smem:$0x3F9A]  }
0x28: {  	s2 =	sld [smem:$0x3F9B]  }
0x29: {  	s4 =	sld [smem:$0x3F9D]  }
0x2a: {  	p0 =	seq.s32 s5, $0x0;
	s5 =	sld [smem:$0x3F9E]  }
0x2b: {  	s6 =	sld [smem:$0x3F9F]  }
0x2c: {  	s7 =	sld [smem:$0x3FA0]  }
0x2d: {  	s3 =	simm.s32 $0x108;
	s8 =	sld [smem:$0x3FA1]  }
0x2e: {  	s3 =	simm.s32 @!p0 $0x1082;
	s9 =	sld [smem:$0x3FA2]  }
0x2f: {  	lr =	sadd.s32 s0, s3;
	s0 =	sld [smem:$0x3F99]  }
0x30: {  	s3 =	sld [smem:$0x3F9C]  }
0x31: {  	[smem:$0x3FA5] =	sst s10  }
0x32: {  	s10 =	sld [smem:$0x3FA3];
	_ =	sdelay $0x3  }
0x33: {  	p0 =	seq.s32 s10, $0x1;
	s10 =	sld [smem:$0x3FA5];
	_ =	sdelay $0x3  }
0x34: {  	[smem:$0x3FA5] =	sst s10  }
0x35: {  	s10 =	sld [smem:$0x3FA4];
	_ =	sdelay $0x3  }
0x36: {  	p1 =	seq.s32 s10, $0x1;
	s10 =	sld [smem:$0x3FA5];
	_ =	sdelay $0x3  }
0x37: {  	[smem:$0x3FA5] =	sst s10  }
0x38: {  	s10 =	sld [smem:$0x3FA6]  }
0x39: {  	_ = 	snop;
	(pc) =	sbr.ind lr, $3  }
0x3a: {  	_ = 	snop  }
0x3b: {  	_ = 	snop  }
0x3c: {  	p2 =	seq.s32 s10, $0x1;
	s10 =	sld [smem:$0x3FA5]  }
0x3d: {  	_ =	shalt  }
0x3e: {  	_ =	shalt  }
0x3f: {  	_ =	shalt  }
0x40: {  	_ =	shalt  }
0x41: {  	_ =	shalt  }
0x42: {  	_ =	shalt  }
0x43: {  	_ =	shalt  }
0x44: {  	_ =	shalt  }
0x45: {  	_ =	shalt  }
0x46: {  	_ =	shalt  }
0x47: {  	_ =	shalt  }
0x48: {  	_ =	shalt  }
0x49: {  	_ =	shalt  }
0x4a: {  	_ =	shalt  }
0x4b: {  	_ =	shalt  }
0x4c: {  	_ =	shalt  }
0x4d: {  	_ =	shalt  }
0x4e: {  	_ =	shalt  }
0x4f: {  	_ =	shalt  }
0x50: {  	_ =	shalt  }
0x51: {  	_ =	shalt  }
0x52: {  	_ =	shalt  }
0x53: {  	_ =	shalt  }
0x54: {  	_ =	shalt  }
0x55: {  	_ =	shalt  }
0x56: {  	_ =	shalt  }
0x57: {  	_ =	shalt  }
0x58: {  	_ =	shalt  }
0x59: {  	_ =	shalt  }
0x5a: {  	_ =	shalt  }
0x5b: {  	_ =	shalt  }
0x5c: {  	_ =	shalt  }
0x5d: {  	_ =	shalt  }
0x5e: {  	_ =	shalt  }
0x5f: {  	_ =	shalt  }
0x60: {  	_ =	shalt  }
0x61: {  	_ =	shalt  }
0x62: {  	_ =	shalt  }
0x63: {  	_ =	shalt  }
0x64: {  	_ =	shalt  }
0x65: {  	_ =	shalt  }
0x66: {  	_ =	shalt  }
0x67: {  	_ =	shalt  }
0x68: {  	_ =	shalt  }
0x69: {  	_ =	shalt  }
0x6a: {  	_ =	shalt  }
0x6b: {  	_ =	shalt  }
0x6c: {  	_ =	shalt  }
0x6d: {  	_ =	shalt  }
0x6e: {  	_ =	shalt  }
0x6f: {  	_ =	shalt  }
0x70: {  	_ =	shalt  }
0x71: {  	_ =	shalt  }
0x72: {  	_ =	shalt  }
0x73: {  	_ =	shalt  }
0x74: {  	_ =	shalt  }
0x75: {  	_ =	shalt  }
0x76: {  	_ =	shalt  }
0x77: {  	_ =	shalt  }
0x78: {  	_ =	shalt  }
0x79: {  	_ =	shalt  }
0x7a: {  	_ =	shalt  }
0x7b: {  	_ =	shalt  }
0x7c: {  	_ =	shalt  }
0x7d: {  	_ =	shalt  }
0x7e: {  	_ =	shalt  }
0x7f: {  	_ =	shalt  }
0x80: {  	_ =	shalt  }
0x81: {  	_ =	shalt  }
0x82: {  	_ =	shalt  }
0x83: {  	_ =	shalt  }
0x84: {  	_ =	shalt  }
0x85: {  	_ =	shalt  }
0x86: {  	_ =	shalt  }
0x87: {  	_ =	shalt  }
.Lfunc_end0:
.L_simem_size_0:
called_computation_lowered:
.L_overlay_start_0:
0x88: {  	s2 =	sld [smem:$0x3FD9]  }
0x89: {  	s3 =	sld [smem:$0x3FFE];
	_ =	sdelay $0x1  }
0x8a: {  	s1 =	srdreg.scid  }
0x8b: {  	s0 =	sand.u32 $0x1, s1  }
0x8c: {  	s14 =	sshll.u32 s0, $0xA;
	s2 =	sadd.s32 s3, s2  }
0x8d: {  	s2 =	sadd.s32 s2, s14  }
0x8e: {  	[smem:$0x3FB1] =	sst s2  }
0x8f: {  	_ = 	snop  }
0x90: {  	s2 =	sld [smem:$0x3FD0];
	_ =	sdelay $0x2  }
0x91: {  	s4 =	simm.s32 $0xA;
	s5 =	simm.s32 $0x10;
	s15 =	sld [smem:$0x3FC8]  }
0x92: {  	[smem:s5], [sflag:s4] =	dma.local [hbm:s2], $0x1  }
0x93: {  	_ =	swait.eq [sflag:s4], $0x1  }
0x94: {  	[sflag:s4] =	ssyncset.done $0x0  }
0x95: {  	[sflag:s4] =	ssyncadd.s32 $0xFFFFFFFF  }
0x96: {  	s16 =	sld [smem:$0x10];
	(tm) =	ssettm $0x1  }
0x97: {  	s17 =	sld [smem:$0x3FFB];
	_ =	sdelay $0x3  }
0x98: {  	_ =	strace s17  }
0x99: {  	s4 =	sld [smem:$0x3FFC];
	_ =	sdelay $0x3  }
0x9a: {  	_ =	strace s4  }
0x9b: {  	s4 =	sld [smem:$0x3FFD];
	_ =	sdelay $0x3  }
0x9c: {  	_ =	strace s4  }
0x9d: {  	_ =	strace $0x8FFFFFFF  }
0x9e: {  	s18 =	sld [smem:$0x3FDB];
	_ =	sdelay $0x1  }
0x9f: {  	s19 =	simm.s32 $_scs_section_size  }
0xa0: {  	s6 =	simm.s32 $_size__tile_overlayer_lowered;
	s7 =	simm.s32 $_tile_overlayer_lowered  }
0xa1: {  	s22 =	simm.s32 $0x1BFF;
	s21 =	sshll.u32 s7, $0x1;
	s4 =	sadd.s32 s19, s18  }
0xa2: {  	s8 =	simm.s32 $0x0;
	s20 =	sshll.u32 s6, $0x1;
	s6 =	sadd.s32 s21, s4  }
0xa3: {  	[timem:s8], [sflag:s22] =	dma.local [hbm:s6], s20  }
0xa4: {  	_ =	swait.ge [sflag:s22], s20  }
0xa5: {  	s5 =	ssub.s32 $0x0, s20;
	[sflag:s22] =	ssyncset.done $0x0  }
0xa6: {  	[sflag:s22] =	ssyncadd.s32 s5;
	_ =	sdelay $0x1  }
0xa7: {  	s23 =	simm.s32 $0x1B8B  }
0xa8: {  	_ =	swait.ge [sflag:s23], $0x1  }
0xa9: {  	[sflag:s23] =	ssyncset.done $0x0  }
0xaa: {  	s25 =	simm.s32 $0x1B8E;
	s24 =	sld [smem:$0x3FFE];
	[sflag:s23] =	ssyncadd.s32 $0xFFFFFFFF  }
0xab: {  	s26 =	simm.s32 $execute0_lowered;
	[smem:$0x3FD2] =	sst s25  }
0xac: {  	s6 =	sshll.u32 s26, $0x1;
	_ =	strace $0x80000046;
	[dreg:$0x1] =	wrdreg $0xFFFFFFFF  }
0xad: {  	s28 =	simm.s32 $_size_execute0_lowered;
	s4 =	sadd.s32 s4, s6;
	[dreg:$0x0] =	wrdreg $0x0  }
0xae: {  	s6 =	sshll.u32 s28, $0x1;
	[dreg:$0x2] =	wrdreg s4  }
0xaf: {  	[dreg:$0x3] =	wrdreg s6  }
0xb0: {  	[dreg:$0x4] =	wrdreg $0xC0  }
0xb1: {  	_ =	task [dreg:s8], $0x5FFFF  }
0xb2: {  	[dreg:$0x1] =	wrdreg $0xFFFFFFFF  }
0xb3: {  	[dreg:$0x0] =	wrdreg $0x60  }
0xb4: {  	[dreg:$0x2] =	wrdreg s24  }
0xb5: {  	[dreg:$0x3] =	wrdreg s15  }
0xb6: {  	[dreg:$0x4] =	wrdreg s16  }
0xb7: {  	[dreg:$0x5] =	wrdreg $0x9  }
0xb8: {  	_ =	task.clear_ibuf [dreg:s8], $0x6FFFF;
	_ =	strace $0x90000046  }
0xb9: {  	s29 =	simm.s32 $0x9;
	_ =	strace $0x80000048  }
0xba: {  	_ =	swait.ge [sflag:s29], $0x1  }
0xbb: {  	[sflag:s29] =	ssyncadd.s32 $0xFFFFFFFF  }
0xbc: {  	_ =	strace $0x90000048  }
0xbd: {  	_ =	sfence  }
0xbe: {  	s30 =	sld [smem:$0x0];
	_ =	sdelay $0x2  }
0xbf: {  	s31 =	sshll.u32 s1, $0xD;
	s1 =	sshrl.u32 s1, $0x2  }
0xc0: {  	s3 =	sand.u32 $0x4000, s31;
	s1 =	sadd.s32 s1, s30  }
0xc1: {  	s0 =	sor.u32 s3, s0;
	s1 =	sshll.u32 s1, $0x11  }
0xc2: {  	s0 =	sor.u32 s1, s0  }
0xc3: {  	s0 =	sadd.s32 $0x8F2B, s0  }
0xc4: {  	[sflag:s0] =	ssyncadd.remote.s32 $0x1  }
0xc5: {  	_ =	sfence.sel $0xFFFF  }
0xc6: {  	[dreg:$0x0] =	wrdreg $0xFFFFFFFF;
	(pc) =	sbr.abs _section_cstart, $3  }
0xc7: {  	[dreg:$0x1] =	wrdreg $0xFFFFFFFF  }
0xc8: {  	_ =	task.clear_ibuf [dreg:s8], $0x2FFFF;
	_ =	strace $0x9FFFFFFF  }
0xc9: {  	(tm) =	ssettm $0x7FFFFFFF  }
tec
execute0_lowered:
.L_overlay_start_1:
0x0: {  	(tag) =	ssettag $0x1  }
0x1: {  	s1 =	srdreg.scid  }
0x2: {  	s0 =	stileid.u32;
	s4 =	rddreg [dreg:$0x0]  }
0x3: {  	s2 =	rddreg [dreg:$0x1];
	s1 =	sand.u32 $0x1, s1;
	s3 =	sshll.u32 s0, $0x1  }
0x4: {  	s6 =	rddreg [dreg:$0x2];
	s5 =	sor.u32 s1, s3;
	s3 =	simm.s32 $0x0  }
0x5: {  	s13 =	simm.s32 $0x880;
	[smem:$0x7FF] =	sst s3  }
0x6: {  	s14 =	simm.s32 $0x1080;
	_ =	strace $0x80000047;
	[dreg:$0x6] =	wrdreg s13  }
0x7: {  	s15 =	simm.s32 $0x1880;
	[dreg:$0x7] =	wrdreg s14  }
0x8: {  	s16 =	simm.s32 $0x2080;
	s17 =	simm.s32 $0x2880;
	[dreg:$0x8] =	wrdreg s15  }
0x9: {  	s18 =	simm.s32 $0x3080;
	s19 =	simm.s32 $0x3880;
	[dreg:$0x9] =	wrdreg s16  }
0xa: {  	s21 =	simm.s32 $0x4080;
	s22 =	simm.s32 $0x4880;
	[dreg:$0xa] =	wrdreg s17  }
0xb: {  	s23 =	simm.s32 $0x5080;
	s24 =	simm.s32 $0x5880;
	[dreg:$0xb] =	wrdreg s18  }
0xc: {  	s8 =	simm.s32 $0x6080;
	s25 =	simm.s32 $0x6880;
	[dreg:$0xc] =	wrdreg s19  }
0xd: {  	s26 =	simm.s32 $0x7080;
	s9 =	simm.s32 $0x80;
	[dreg:$0xd] =	wrdreg s21  }
0xe: {  	s11 =	simm.s32 $0x8080;
	s28 =	simm.s32 $0x10080;
	[dreg:$0xe] =	wrdreg s22  }
0xf: {  	s29 =	simm.s32 $0x10880;
	s30 =	simm.s32 $0x11080;
	[dreg:$0xf] =	wrdreg s23  }
0x10: {  	s31 =	simm.s32 $0x11880;
	s1 =	ssub.s32 $0x2, s1;
	[dreg:$0x10] =	wrdreg s24  }
0x11: {  	s7 =	smul.u32 $0x9, s5;
	s20 =	sshrl.u32 s1, $0x1;
	[dreg:$0x11] =	wrdreg s8  }
0x12: {  	s5 =	smul.u32 $0x2400, s5;
	s1 =	ssub.s32 s1, s20;
	[dreg:$0x12] =	wrdreg s25  }
0x13: {  	s8 =	simm.s32 $0x2;
	[dreg:$0x13] =	wrdreg s26;
	s13 =	simm.s32 $0x9080  }
0x14: {  	s14 =	simm.s32 $0x9880;
	s15 =	simm.s32 $0xA080;
	s16 =	simm.s32 $0xA880  }
0x15: {  	s17 =	simm.s32 $0xB080;
	s18 =	simm.s32 $0xB880;
	s19 =	simm.s32 $0xC080  }
0x16: {  	s20 =	simm.s32 $0xC880;
	s21 =	simm.s32 $0xD080;
	s22 =	simm.s32 $0xD880  }
0x17: {  	s23 =	simm.s32 $0xE080;
	s24 =	simm.s32 $0xE880;
	s25 =	simm.s32 $0xF080  }
0x18: {  	s26 =	simm.s32 $0xF880;
	s4 =	sadd.s32 s7, s4;
	s12 =	sadd.s32 s6, s5  }
0x19: {  	v2 =	vlaneseq.u32;
	s5 =	sadd.s32 $0x200, s2;
	s6 =	sadd.s32 $0x300, s2;
	s7 =	smax.u32 s1, $0x1  }
0x1a: {  	vm0 =	vmmov $0xffff;
	v1 =	vshrl.u32 v2, $0x3;
	s1 =	simm.s32 $0x1;
	s4 =	sadd.s32 $0x3400, s4;
	[dreg:$0x5] =	wrdreg s12  }
0x1b: {  	v0 =	vand.u32 $0x7, v2;
	v2 =	vor.u32 $0x8, v2;
	v1 =	vmul.u32 $0x8, v1;
	s12 =	simm.s32 $0x8880;
	[dreg:$0x4] =	wrdreg s4;
	s4 =	sadd.s32 $0x100, s2  }
.LBB2_1:
0x1c: {  	s0 =	rddreg [dreg:$0x4]  }
0x1d: {  	[tilespmem:s3], [sflag:$0x2] =	stream.linear.gather [hbm4b:s0+s3], $0x48, $0x38;
	[tilespmem:$0x12080] =	vst v63  }
0x1e: {  	_ =	swait.ge [sflag:s8], $0x48  }
0x1f: {  	[sflag:s8] =	ssyncset.done $0x0  }
0x20: {  	[sflag:s8] =	ssyncadd.s32 $0xFFFFFFB8  }
0x21: {  	v3 =	vld [tilespmem:$0x0];
	_ =	sdelay $0x4  }
0x22: {  	v4 =	vshll.u32 v3, $0x3  }
0x23: {  	v3 =	vand.u32 $0x7, v3;
	v4 =	vand.u32 $0xFFFFFFC0, v4  }
0x24: {  	v3 =	vor.u32 v3, v4  }
0x25: {  	v4 =	vperm.xlane v3, v0;
	_ =	sdelay $0x1  }
0x26: {  	v4 =	vadd.s32 v1, v4;
	_ =	sdelay $0x4  }
0x27: {  	[tilespmem:s9], [sflag:$0x1] =	stream.indirect_vreg.gather [hbm4b:s2+s3], $0x80, v4, vm0, $0xb8;
	[tilespmem:$0x12080] =	vst v63  }
0x28: {  	s0 =	rddreg [dreg:$0x6];
	v3 =	vperm.xlane v3, v2  }
0x29: {  	[tilespmem:s0], [sflag:$0x1] =	stream.indirect_vreg.gather [hbm4b:s4+s3], $0x80, v4, vm0, $0xb8;
	[tilespmem:$0x12080] =	vst v63  }
0x2a: {  	s10 =	rddreg [dreg:$0x7];
	v3 =	vadd.s32 v1, v3  }
0x2b: {  	[tilespmem:s10], [sflag:$0x1] =	stream.indirect_vreg.gather [hbm4b:s5+s3], $0x80, v4, vm0, $0xb8;
	[tilespmem:$0x12080] =	vst v63  }
0x2c: {  	s0 =	rddreg [dreg:$0x8]  }
0x2d: {  	[tilespmem:s0], [sflag:$0x1] =	stream.indirect_vreg.gather [hbm4b:s6+s3], $0x80, v4, vm0, $0xb8;
	[tilespmem:$0x12080] =	vst v63  }
0x2e: {  	s10 =	rddreg [dreg:$0x9]  }
0x2f: {  	[tilespmem:s10], [sflag:$0x1] =	stream.indirect_vreg.gather [hbm4b:s2+s3], $0x80, v3, vm0, $0xb8;
	[tilespmem:$0x12080] =	vst v63  }
0x30: {  	s0 =	rddreg [dreg:$0xa]  }
0x31: {  	[tilespmem:s0], [sflag:$0x1] =	stream.indirect_vreg.gather [hbm4b:s4+s3], $0x80, v3, vm0, $0xb8;
	[tilespmem:$0x12080] =	vst v63  }
0x32: {  	s10 =	rddreg [dreg:$0xb]  }
0x33: {  	[tilespmem:s10], [sflag:$0x1] =	stream.indirect_vreg.gather [hbm4b:s5+s3], $0x80, v3, vm0, $0xb8;
	[tilespmem:$0x12080] =	vst v63  }
0x34: {  	s0 =	rddreg [dreg:$0xc]  }
0x35: {  	[tilespmem:s0], [sflag:$0x1] =	stream.indirect_vreg.gather [hbm4b:s6+s3], $0x80, v3, vm0, $0xb8;
	[tilespmem:$0x12080] =	vst v63  }
0x36: {  	v3 =	vld [tilespmem:$0x10];
	_ =	sdelay $0x4  }
0x37: {  	v60 =	vshll.u32 v3, $0x3  }
0x38: {  	v3 =	vand.u32 $0x7, v3;
	v4 =	vand.u32 $0xFFFFFFC0, v60  }
0x39: {  	v3 =	vor.u32 v3, v4  }
0x3a: {  	v4 =	vperm.xlane v3, v0;
	_ =	sdelay $0x1  }
0x3b: {  	v4 =	vadd.s32 v1, v4;
	_ =	sdelay $0x3  }
0x3c: {  	s0 =	rddreg [dreg:$0xd]  }
0x3d: {  	[tilespmem:s0], [sflag:$0x1] =	stream.indirect_vreg.gather [hbm4b:s2+s3], $0x80, v4, vm0, $0xb8;
	[tilespmem:$0x12080] =	vst v63  }
0x3e: {  	s10 =	rddreg [dreg:$0xe];
	v3 =	vperm.xlane v3, v2  }
0x3f: {  	[tilespmem:s10], [sflag:$0x1] =	stream.indirect_vreg.gather [hbm4b:s4+s3], $0x80, v4, vm0, $0xb8;
	[tilespmem:$0x12080] =	vst v63  }
0x40: {  	v3 =	vadd.s32 v1, v3;
	s0 =	rddreg [dreg:$0xf]  }
0x41: {  	[tilespmem:s0], [sflag:$0x1] =	stream.indirect_vreg.gather [hbm4b:s5+s3], $0x80, v4, vm0, $0xb8;
	[tilespmem:$0x12080] =	vst v63  }
0x42: {  	s10 =	rddreg [dreg:$0x10]  }
0x43: {  	[tilespmem:s10], [sflag:$0x1] =	stream.indirect_vreg.gather [hbm4b:s6+s3], $0x80, v4, vm0, $0xb8;
	[tilespmem:$0x12080] =	vst v63  }
0x44: {  	s0 =	rddreg [dreg:$0x11]  }
0x45: {  	[tilespmem:s0], [sflag:$0x1] =	stream.indirect_vreg.gather [hbm4b:s2+s3], $0x80, v3, vm0, $0xb8;
	[tilespmem:$0x12080] =	vst v63  }
0x46: {  	s10 =	rddreg [dreg:$0x12]  }
0x47: {  	[tilespmem:s10], [sflag:$0x1] =	stream.indirect_vreg.gather [hbm4b:s4+s3], $0x80, v3, vm0, $0xb8;
	[tilespmem:$0x12080] =	vst v63  }
0x48: {  	s0 =	rddreg [dreg:$0x13]  }
0x49: {  	[tilespmem:s0], [sflag:$0x1] =	stream.indirect_vreg.gather [hbm4b:s5+s3], $0x80, v3, vm0, $0xb8;
	[tilespmem:$0x12080] =	vst v63  }
0x4a: {  	s10 =	simm.s32 $0x7880  }
0x4b: {  	[tilespmem:s10], [sflag:$0x1] =	stream.indirect_vreg.gather [hbm4b:s6+s3], $0x80, v3, vm0, $0xb8;
	[tilespmem:$0x12080] =	vst v63  }
0x4c: {  	v3 =	vld [tilespmem:$0x20];
	_ =	sdelay $0x4  }
0x4d: {  	v61 =	vshll.u32 v3, $0x3  }
0x4e: {  	v3 =	vand.u32 $0x7, v3;
	v4 =	vand.u32 $0xFFFFFFC0, v61  }
0x4f: {  	v3 =	vor.u32 v3, v4  }
0x50: {  	v4 =	vperm.xlane v3, v0;
	_ =	sdelay $0x1  }
0x51: {  	v4 =	vadd.s32 v1, v4;
	_ =	sdelay $0x4  }
0x52: {  	[tilespmem:s11], [sflag:$0x1] =	stream.indirect_vreg.gather [hbm4b:s2+s3], $0x80, v4, vm0, $0xb8;
	[tilespmem:$0x12080] =	vst v63  }
0x53: {  	v3 =	vperm.xlane v3, v2  }
0x54: {  	[tilespmem:s12], [sflag:$0x1] =	stream.indirect_vreg.gather [hbm4b:s4+s3], $0x80, v4, vm0, $0xb8;
	[tilespmem:$0x12080] =	vst v63  }
0x55: {  	v3 =	vadd.s32 v1, v3  }
0x56: {  	[tilespmem:s13], [sflag:$0x1] =	stream.indirect_vreg.gather [hbm4b:s5+s3], $0x80, v4, vm0, $0xb8;
	[tilespmem:$0x12080] =	vst v63  }
0x57: {  	_ = 	snop  }
0x58: {  	[tilespmem:s14], [sflag:$0x1] =	stream.indirect_vreg.gather [hbm4b:s6+s3], $0x80, v4, vm0, $0xb8;
	[tilespmem:$0x12080] =	vst v63  }
0x59: {  	_ = 	snop  }
0x5a: {  	[tilespmem:s15], [sflag:$0x1] =	stream.indirect_vreg.gather [hbm4b:s2+s3], $0x80, v3, vm0, $0xb8;
	[tilespmem:$0x12080] =	vst v63  }
0x5b: {  	_ = 	snop  }
0x5c: {  	[tilespmem:s16], [sflag:$0x1] =	stream.indirect_vreg.gather [hbm4b:s4+s3], $0x80, v3, vm0, $0xb8;
	[tilespmem:$0x12080] =	vst v63  }
0x5d: {  	_ = 	snop  }
0x5e: {  	[tilespmem:s17], [sflag:$0x1] =	stream.indirect_vreg.gather [hbm4b:s5+s3], $0x80, v3, vm0, $0xb8;
	[tilespmem:$0x12080] =	vst v63  }
0x5f: {  	_ = 	snop  }
0x60: {  	[tilespmem:s18], [sflag:$0x1] =	stream.indirect_vreg.gather [hbm4b:s6+s3], $0x80, v3, vm0, $0xb8;
	[tilespmem:$0x12080] =	vst v63  }
0x61: {  	v3 =	vld [tilespmem:$0x30];
	_ =	sdelay $0x4  }
0x62: {  	v62 =	vshll.u32 v3, $0x3  }
0x63: {  	v3 =	vand.u32 $0x7, v3;
	v4 =	vand.u32 $0xFFFFFFC0, v62  }
0x64: {  	v3 =	vor.u32 v3, v4  }
0x65: {  	v4 =	vperm.xlane v3, v0;
	_ =	sdelay $0x1  }
0x66: {  	v4 =	vadd.s32 v1, v4;
	_ =	sdelay $0x4  }
0x67: {  	[tilespmem:s19], [sflag:$0x1] =	stream.indirect_vreg.gather [hbm4b:s2+s3], $0x80, v4, vm0, $0xb8;
	[tilespmem:$0x12080] =	vst v63  }
0x68: {  	v3 =	vperm.xlane v3, v2  }
0x69: {  	[tilespmem:s20], [sflag:$0x1] =	stream.indirect_vreg.gather [hbm4b:s4+s3], $0x80, v4, vm0, $0xb8;
	[tilespmem:$0x12080] =	vst v63  }
0x6a: {  	v3 =	vadd.s32 v1, v3  }
0x6b: {  	[tilespmem:s21], [sflag:$0x1] =	stream.indirect_vreg.gather [hbm4b:s5+s3], $0x80, v4, vm0, $0xb8;
	[tilespmem:$0x12080] =	vst v63  }
0x6c: {  	_ = 	snop  }
0x6d: {  	[tilespmem:s22], [sflag:$0x1] =	stream.indirect_vreg.gather [hbm4b:s6+s3], $0x80, v4, vm0, $0xb8;
	[tilespmem:$0x12080] =	vst v63  }
0x6e: {  	_ = 	snop  }
0x6f: {  	[tilespmem:s23], [sflag:$0x1] =	stream.indirect_vreg.gather [hbm4b:s2+s3], $0x80, v3, vm0, $0xb8;
	[tilespmem:$0x12080] =	vst v63  }
0x70: {  	_ = 	snop  }
0x71: {  	[tilespmem:s24], [sflag:$0x1] =	stream.indirect_vreg.gather [hbm4b:s4+s3], $0x80, v3, vm0, $0xb8;
	[tilespmem:$0x12080] =	vst v63  }
0x72: {  	_ = 	snop  }
0x73: {  	[tilespmem:s25], [sflag:$0x1] =	stream.indirect_vreg.gather [hbm4b:s5+s3], $0x80, v3, vm0, $0xb8;
	[tilespmem:$0x12080] =	vst v63  }
0x74: {  	_ = 	snop  }
0x75: {  	[tilespmem:s26], [sflag:$0x1] =	stream.indirect_vreg.gather [hbm4b:s6+s3], $0x80, v3, vm0, $0xb8;
	[tilespmem:$0x12080] =	vst v63  }
0x76: {  	v3 =	vld.msk [tilespmem:$0x40], $0xff;
	_ =	sdelay $0x4  }
0x77: {  	v63 =	vshll.u32 v3, $0x3  }
0x78: {  	v3 =	vand.u32 $0x7, v3;
	v4 =	vand.u32 $0xFFFFFFC0, v63  }
0x79: {  	v3 =	vor.u32 v3, v4  }
0x7a: {  	v3 =	vperm.xlane v3, v0;
	_ =	sdelay $0x1  }
0x7b: {  	v3 =	vadd.s32 v1, v3;
	_ =	sdelay $0x4  }
0x7c: {  	[tilespmem:s28], [sflag:$0x1] =	stream.indirect_vreg.gather [hbm4b:s2+s3], $0x80, v3, vm0, $0xb8;
	[tilespmem:$0x12080] =	vst v63  }
0x7d: {  	_ = 	snop  }
0x7e: {  	[tilespmem:s29], [sflag:$0x1] =	stream.indirect_vreg.gather [hbm4b:s4+s3], $0x80, v3, vm0, $0xb8;
	[tilespmem:$0x12080] =	vst v63  }
0x7f: {  	_ = 	snop  }
0x80: {  	[tilespmem:s30], [sflag:$0x1] =	stream.indirect_vreg.gather [hbm4b:s5+s3], $0x80, v3, vm0, $0xb8;
	[tilespmem:$0x12080] =	vst v63  }
0x81: {  	_ = 	snop  }
0x82: {  	[tilespmem:s31], [sflag:$0x1] =	stream.indirect_vreg.gather [hbm4b:s6+s3], $0x80, v3, vm0, $0xb8;
	[tilespmem:$0x12080] =	vst v63  }
0x83: {  	_ =	swait.ge [sflag:s1], $0x12000  }
0x84: {  	p0 =	sne.s32 s7, $0x1;
	[sflag:s1] =	ssyncset.done $0x0  }
.Ltmp0:
0x85: {  	s10 =	rddreg [dreg:$0x5];
	[sflag:s1] =	ssyncadd.s32 $0xFFFEE000;
	(pc) =	sbr.rel @p0 .LBB2_1-.Ltmp0, $4  }
0x86: {  	[hbm4b:s10+s3] =	stream.linear.scatter [tilespmem:s9], [sflag:$0x2], $0x12000, $0x38;
	[tilespmem:$0x12080] =	vst v63  }
0x87: {  	_ =	swait.ge [sflag:s8], $0x12000  }
0x88: {  	[sflag:s8] =	ssyncset.done $0x0  }
0x89: {  	s7 =	sadd.s32 $0xFFFFFFFF, s7;
	[sflag:s8] =	ssyncadd.s32 $0xFFFEE000  }
0x8a: {  	_ =	sfence.sel $0x180000  }
0x8b: {  	[bflag:$0x0] =	sbarrier.arrive $0xFFFF  }
0x8c: {  	_ =	strace $0x90000047  }
0x8d: {  	s0 =	stileid.u32;
	[bflag:$0x2] =	sbarrier.arrive $0xFFFF  }
0x8e: {  	p0 =	sne.s32 s0, $0x0;
	s0 =	rddreg [dreg:$0x3]  }
0x8f: {  	s0 =	sadd.s32 @!p0 $0x100000, s0  }
0x90: {  	[sflag:s0] =	ssyncadd.tile.s32 @!p0 $0x1;
	_ =	shalt  }
.Lfunc_end2:
_tile_overlayer_lowered:
.L_overlay_start_2:
0x91: {  	(tag) =	ssettag $0x2  }
0x92: {  	s0 =	rddreg [dreg:$0x0];
	s2 =	stileid.u32  }
0x93: {  	s1 =	rddreg [dreg:$0x1];
	p0 =	sne.s32 s2, $0x0  }
0x94: {  	s3 =	rddreg [dreg:$0x2];
	[bflag:$0x3] =	sbarrier.arrive $0xFFFF;
	s2 =	simm.s32 @!p0 $0x1C02  }
0x95: {  	[timem:s3], [sflag:s2] =	dma.local @!p0 [hbm:s0], s1  }
0x96: {  	s0 =	simm.s32 @!p0 $0x2  }
0x97: {  	_ =	swait.ge @!p0 [sflag:s0], s1  }
0x98: {  	s1 =	ssub.s32 @!p0 $0x0, s1;
	[sflag:s0] =	ssyncset.done @!p0 $0x0  }
0x99: {  	[sflag:s0] =	ssyncadd.s32 @!p0 s1  }
0x9a: {  	[bflag:$0x3] =	sbarrier.arrive $0xFFFF  }
0x9b: {  	_ =	shalt  }

</sc_bundles>
